<compile_context>
chip_gen: v7x
topology: tpu7x:2x2x1
jax: 0.10.2.dev20260603
libtpu: 0.0.44.dev20260713+nightly
codegen_flags: <defaults>
</compile_context>

<pallas_src>
import functools

import jax
import jax.numpy as jnp
from jax import lax
from jax.experimental import pallas as pl
from jax.experimental.pallas import tpu as pltpu
from jax.experimental.pallas import tpu_sc as plsc

B = 16384
F = 26
V = 100000
D = 16
DD = 13
H0 = 128
H1 = 64

NW = 32
PER_W = B * F // NW
SUP = 8
SUP_IDX = PER_W // SUP
NROW = SUP_IDX // 128
IDX_ROWS = B * F // 128
ROWS_PER_W = IDX_ROWS // NW

BS = 512
FD = F * D


def _sc_gather(idx2d, emb_table, lin1d):
    mesh = plsc.VectorSubcoreMesh(core_axis_name="c", subcore_axis_name="s")

    @functools.partial(
        pl.kernel,
        mesh=mesh,
        compiler_params=pltpu.CompilerParams(use_tc_tiling_on_sc=False),
        out_type=[
            jax.ShapeDtypeStruct((B * F, D), jnp.float32),
            jax.ShapeDtypeStruct((B * F,), jnp.float32),
        ],
        scratch_types=[
            pltpu.VMEM((ROWS_PER_W, 128), jnp.int32),
            pltpu.VMEM((SUP_IDX, D), jnp.float32),
            pltpu.VMEM((SUP_IDX,), jnp.float32),
            pltpu.SemaphoreType.DMA,
            pltpu.SemaphoreType.DMA,
        ],
    )
    def k(idx_hbm, emb_hbm, lin_hbm, emb_out, lin_out, idx_v,
          rows_v, lin_v, sem_e, sem_l):
        wid = lax.axis_index("s") * 2 + lax.axis_index("c")
        pltpu.sync_copy(idx_hbm.at[pl.ds(wid * ROWS_PER_W, ROWS_PER_W)], idx_v)

        def body(c, _):
            base = wid * PER_W + c * SUP_IDX
            handles = []
            for j in range(NROW):
                row = c * NROW + j
                handles.append(pltpu.async_copy(
                    emb_hbm.at[idx_v.at[row]],
                    rows_v.at[pl.ds(j * 128, 128)],
                    sem_e,
                ))
                handles.append(pltpu.async_copy(
                    lin_hbm.at[idx_v.at[row]],
                    lin_v.at[pl.ds(j * 128, 128)],
                    sem_l,
                ))
            for h in handles:
                h.wait()

            pltpu.sync_copy(rows_v, emb_out.at[pl.ds(base, SUP_IDX)])
            pltpu.sync_copy(lin_v, lin_out.at[pl.ds(base, SUP_IDX)])
            return _

        lax.fori_loop(0, SUP, body, 0)

    return k(idx2d, emb_table, lin1d)


def _tc_body(flat_ref, lin_ref, xd_ref, wc_ref, w0d_ref, c0_ref, w1_ref,
             c1_ref, wout_ref, dw_ref, cst_ref, out_ref):
    flat = flat_ref[...]
    xd = xd_ref[...]
    g = lax.dot_general(flat, wc_ref[...], (((1,), (0,)), ((), ())),
                        preferred_element_type=jnp.float32)
    h = g[:, :H0] + lax.dot_general(xd, w0d_ref[...], (((1,), (0,)), ((), ())),
                                    preferred_element_type=jnp.float32)
    h = jnp.maximum(h + c0_ref[...], 0.0)
    h1 = lax.dot_general(h, w1_ref[...], (((1,), (0,)), ((), ())),
                         preferred_element_type=jnp.float32)
    h1 = jnp.maximum(h1 + c1_ref[...], 0.0)
    deep = jnp.sum(h1 * wout_ref[...], axis=1)

    sumvec = g[:, H0:H0 + D]
    second = 0.5 * (jnp.sum(sumvec * sumvec, axis=1)
                    - jnp.sum(flat * flat, axis=1))

    first = jnp.sum(lin_ref[...], axis=1) + jnp.sum(xd * dw_ref[...], axis=1)

    out_ref[...] = first + second + deep + cst_ref[0, 0]


def _tc_math(flat, lin_g, xd, wc, w0d, c0, w1c, c1, woutp, dwp, cst):
    grid = (B // BS,)
    return pl.pallas_call(
        _tc_body,
        grid=grid,
        in_specs=[
            pl.BlockSpec((BS, FD), lambda i: (i, 0)),
            pl.BlockSpec((BS, F), lambda i: (i, 0)),
            pl.BlockSpec((BS, 16), lambda i: (i, 0)),
            pl.BlockSpec((FD, 256), lambda i: (0, 0)),
            pl.BlockSpec((16, H0), lambda i: (0, 0)),
            pl.BlockSpec((1, H0), lambda i: (0, 0)),
            pl.BlockSpec((H0, H0), lambda i: (0, 0)),
            pl.BlockSpec((1, H0), lambda i: (0, 0)),
            pl.BlockSpec((1, H0), lambda i: (0, 0)),
            pl.BlockSpec((1, 16), lambda i: (0, 0)),
            pl.BlockSpec(memory_space=pltpu.SMEM),
        ],
        out_specs=pl.BlockSpec((BS,), lambda i: (i,)),
        out_shape=jax.ShapeDtypeStruct((B,), jnp.float32),
    )(flat, lin_g, xd, wc, w0d, c0, w1c, c1, woutp, dwp, cst)


def kernel(x_sparse, x_dense, emb_table, lin_table, lin_bias, dense_W, dense_b,
           W0, b0, g0, be0, W1, b1, g1, be1, Wout, bout, gbias):
    offsets = (jnp.arange(F, dtype=jnp.int32) * V)
    idx = x_sparse.astype(jnp.int32) + offsets[None, :]
    idx2d = idx.reshape(IDX_ROWS, 128)

    emb_lin = emb_table
    lin1d = lin_table.reshape(-1)

    emb_flat, lin_flat = _sc_gather(idx2d, emb_lin, lin1d)
    flat = emb_flat.reshape(B, FD)
    lin_g = lin_flat.reshape(B, F)

    eps = 1e-5
    s0 = (g0 / jnp.sqrt(1.0 + eps))
    s1 = (g1 / jnp.sqrt(1.0 + eps))
    w0t = W0.T * s0[None, :]
    sel = jnp.zeros((FD, D), jnp.float32)
    sel = sel.at[jnp.arange(FD), jnp.arange(FD) % D].set(1.0)
    wc = jnp.zeros((FD, 256), jnp.float32)
    wc = wc.at[:, :H0].set(w0t[:FD])
    wc = wc.at[:, H0:H0 + D].set(sel)
    w0d = jnp.zeros((16, H0), jnp.float32).at[:DD].set(w0t[FD:])
    c0 = (b0 * s0 + be0).reshape(1, H0)
    w1c = jnp.zeros((H0, H0), jnp.float32).at[:, :H1].set(W1.T * s1[None, :])
    c1 = jnp.zeros((1, H0), jnp.float32).at[0, :H1].set(b1 * s1 + be1)
    woutp = jnp.zeros((1, H0), jnp.float32).at[0, :H1].set(Wout[0])
    xd = jnp.zeros((B, 16), jnp.float32).at[:, :DD].set(x_dense)
    dwp = jnp.zeros((1, 16), jnp.float32).at[0, :DD].set(dense_W[0])
    cst = (gbias[0] + lin_bias[0] + dense_b[0] + bout[0]).reshape(1, 1)

    return _tc_math(flat, lin_g, xd, wc, w0d, c0, w1c, c1, woutp, dwp, cst)

# --- scband reference (transcript-rebuilt; emitter-appended) ---
"""Pipeline reference for scband-deep-fm-enhanced-88785563943439 (READ-ONLY COPY).

The authoritative reference and input builder live on the scoring server;
editing this copy changes nothing except your own understanding.
"""

import jax, jax.numpy as jnp
import numpy as np

B = 16384
F = 26
V = 100000
D = 16
DD = 13
H0 = 128
H1 = 64
DIN = F * D + DD


def setup_inputs(seed: int = 0) -> dict:
    key = jax.random.key(seed)
    ks = jax.random.split(key, 12)
    x_sparse = jax.random.randint(ks[0], (B, F), 0, V, dtype=jnp.int32).astype(jnp.int64)
    x_dense = jax.random.uniform(ks[1], (B, DD), dtype=jnp.float32)
    emb_table = (jax.random.uniform(ks[2], (F * V, D), dtype=jnp.float32) * 2.0 - 1.0) * 0.01
    lin_table = (jax.random.uniform(ks[3], (F * V, 1), dtype=jnp.float32) * 2.0 - 1.0) * 0.01
    lin_bias = jnp.zeros((1,), dtype=jnp.float32)
    dense_W = jax.random.normal(ks[4], (1, DD), dtype=jnp.float32) * 0.1
    dense_b = jnp.zeros((1,), dtype=jnp.float32)
    W0 = jax.random.normal(ks[5], (H0, DIN), dtype=jnp.float32) * 0.05
    b0 = jnp.zeros((H0,), dtype=jnp.float32)
    g0 = jnp.ones((H0,), dtype=jnp.float32)
    be0 = jnp.zeros((H0,), dtype=jnp.float32)
    W1 = jax.random.normal(ks[6], (H1, H0), dtype=jnp.float32) * 0.05
    b1 = jnp.zeros((H1,), dtype=jnp.float32)
    g1 = jnp.ones((H1,), dtype=jnp.float32)
    be1 = jnp.zeros((H1,), dtype=jnp.float32)
    Wout = jax.random.normal(ks[7], (1, H1), dtype=jnp.float32) * 0.05
    bout = jnp.zeros((1,), dtype=jnp.float32)
    gbias = jnp.zeros((1,), dtype=jnp.float32)
    return {"x_sparse": x_sparse, "x_dense": x_dense, "emb_table": emb_table,
            "lin_table": lin_table, "lin_bias": lin_bias, "dense_W": dense_W,
            "dense_b": dense_b, "W0": W0, "b0": b0, "g0": g0, "be0": be0,
            "W1": W1, "b1": b1, "g1": g1, "be1": be1, "Wout": Wout,
            "bout": bout, "gbias": gbias}


def reference(x_sparse, x_dense, emb_table, lin_table, lin_bias, dense_W, dense_b,
              W0, b0, g0, be0, W1, b1, g1, be1, Wout, bout, gbias):
    offsets = (jnp.arange(F) * V).astype(x_sparse.dtype)
    idx = x_sparse + offsets[None, :]
    # first-order: sum of per-field linear embeddings + bias
    first = jnp.sum(jnp.take(lin_table, idx, axis=0), axis=1) + lin_bias  # [B,1]
    first = first[:, 0]
    first = first + (x_dense @ dense_W.T + dense_b)[:, 0]
    # second-order FM term
    emb = jnp.take(emb_table, idx, axis=0)  # [B,F,D]
    square_of_sum = jnp.sum(emb, axis=1) ** 2
    sum_of_square = jnp.sum(emb ** 2, axis=1)
    second = 0.5 * jnp.sum(square_of_sum - sum_of_square, axis=1)
    # deep part (eval mode: BN uses running stats mean=0, var=1; dropout is identity)
    flat = emb.reshape(emb.shape[0], F * D)
    deep_in = jnp.concatenate([flat, x_dense], axis=1)
    eps = 1e-5
    h = deep_in @ W0.T + b0
    h = h / jnp.sqrt(1.0 + eps) * g0 + be0
    h = jax.nn.relu(h)
    h = h @ W1.T + b1
    h = h / jnp.sqrt(1.0 + eps) * g1 + be1
    h = jax.nn.relu(h)
    deep = (h @ Wout.T + bout)[:, 0]
    return gbias[0] + first + second + deep

if __name__ == "__main__":
    import jax
    _d = setup_inputs()
    print(jax.jit(kernel)(*tuple(_d.values())))

</pallas_src>

<mosaic_0001>
#map = affine_map<(d0, d1) -> (0, 0)>
#map1 = affine_map<(d0, d1) -> (0)>
module attributes {stable_mosaic.version = 14 : i64} {
  func.func @k(%arg0: i32, %arg1: i32, %arg2: memref<3328x128xi32, #tpu.memory_space<hbm>>, %arg3: memref<2600000x16xf32, #tpu.memory_space<hbm>>, %arg4: memref<2600000xf32, #tpu.memory_space<hbm>>, %arg5: memref<425984x16xf32, #tpu.memory_space<hbm>>, %arg6: memref<425984xf32, #tpu.memory_space<hbm>>, %arg7: memref<104x128xi32, #tpu.memory_space<vmem>>, %arg8: memref<1664x16xf32, #tpu.memory_space<vmem>>, %arg9: memref<1664xf32, #tpu.memory_space<vmem>>, %arg10: memref<!tpu.dma_semaphore, #tpu.memory_space<semaphore_mem>>, %arg11: memref<!tpu.dma_semaphore, #tpu.memory_space<semaphore_mem>>) attributes {dimension_semantics = [#tpu.dimension_semantics<core_parallel>, #tpu.dimension_semantics<subcore_parallel>], iteration_bounds = array<i64: 2, 16>, scalar_prefetch = 0 : i64, scratch_operands = 5 : i64, tpu.core_type = #tpu.core_type<sc_vector_subcore>, window_params = [{transform_indices = #map}, {transform_indices = #map}, {transform_indices = #map1}, {transform_indices = #map}, {transform_indices = #map1}]} {
    %mul3A = arith.constant 2 : i32
    %mul3A_0 = arith.muli %arg1, %mul3A : i32
    %add3A = arith.addi %mul3A_0, %arg0 : i32
    %mul3A_1 = arith.constant 104 : i32
    %mul3A_2 = arith.muli %add3A, %mul3A_1 : i32
    "tpu.region"() ({
      %run_scoped3A = tpu.sem_alloc : memref<!tpu.dma_semaphore, #tpu.memory_space<semaphore_mem>>
      %dma_start3A = arith.constant 0 : i32
      %dma_start3A_8 = tpu.memref_slice %arg2[%mul3A_2, %dma_start3A] : memref<3328x128xi32, #tpu.memory_space<hbm>> -> memref<104x128xi32, #tpu.memory_space<hbm>>
      %dma_start3A_9 = arith.constant 0 : i32
      %dma_start3A_10 = tpu.memref_slice %arg2[%mul3A_2, %dma_start3A_9] : memref<3328x128xi32, #tpu.memory_space<hbm>> -> memref<104x128xi32, #tpu.memory_space<hbm>>
      tpu.enqueue_dma source(%dma_start3A_10 : memref<104x128xi32, #tpu.memory_space<hbm>>) target(%arg7 : memref<104x128xi32, #tpu.memory_space<vmem>>) target_semaphore(%run_scoped3A : memref<!tpu.dma_semaphore, #tpu.memory_space<semaphore_mem>>)
      %dma_wait3A = arith.constant 0 : i32
      %dma_wait3A_11 = tpu.memref_slice %arg2[%mul3A_2, %dma_wait3A] : memref<3328x128xi32, #tpu.memory_space<hbm>> -> memref<104x128xi32, #tpu.memory_space<hbm>>
      %dma_wait3A_12 = arith.constant 0 : i32
      %dma_wait3A_13 = tpu.memref_slice %arg2[%mul3A_2, %dma_wait3A_12] : memref<3328x128xi32, #tpu.memory_space<hbm>> -> memref<104x128xi32, #tpu.memory_space<hbm>>
      tpu.wait_dma2 semaphore(%run_scoped3A : memref<!tpu.dma_semaphore, #tpu.memory_space<semaphore_mem>>) src(%dma_wait3A_13 : memref<104x128xi32, #tpu.memory_space<hbm>>) dst(%arg7 : memref<104x128xi32, #tpu.memory_space<vmem>>)
      tpu.yield
    }) : () -> ()
    %scan3A = arith.constant 0 : i32
    %scan3A_3 = arith.constant 0 : i32
    %scan3A_4 = arith.constant 8 : i32
    %scan3A_5 = arith.addi %scan3A_3, %scan3A_4 : i32
    %scan3A_6 = arith.constant 1 : i32
    scf.for %scan3A_8 = %scan3A_3 to %scan3A_5 step %scan3A_6  : i32 {
      %mul3A_9 = arith.constant 13312 : i32
      %mul3A_10 = arith.muli %add3A, %mul3A_9 : i32
      %mul3A_11 = arith.constant 1664 : i32
      %mul3A_12 = arith.muli %scan3A_8, %mul3A_11 : i32
      %add3A_13 = arith.addi %mul3A_10, %mul3A_12 : i32
      %mul3A_14 = arith.constant 13 : i32
      %mul3A_15 = arith.muli %scan3A_8, %mul3A_14 : i32
      %add3A_16 = arith.constant 0 : i32
      %add3A_17 = arith.addi %mul3A_15, %add3A_16 : i32
      %dma_start3A = arith.constant 0 : i32
      %dma_start3A_18 = arith.constant 0 : i32
      %dma_start3A_19 = tpu.memref_slice %arg8[%dma_start3A, %dma_start3A_18] : memref<1664x16xf32, #tpu.memory_space<vmem>> -> memref<128x16xf32, #tpu.memory_space<vmem>>
      %dma_start3A_20 = arith.constant 0 : i32
      %dma_start3A_21 = tpu.memref_slice %arg7[%add3A_17, %dma_start3A_20] : memref<104x128xi32, #tpu.memory_space<vmem>> -> memref<1x128xi32, #tpu.memory_space<vmem>>
      %dma_start3A_22 = tpu.memref_squeeze %dma_start3A_21 : memref<1x128xi32, #tpu.memory_space<vmem>> -> memref<128xi32, #tpu.memory_space<vmem>>
      %dma_start3A_23 = arith.constant 0 : i32
      %dma_start3A_24 = arith.constant 0 : i32
      %dma_start3A_25 = tpu.memref_slice %arg3[%dma_start3A_23, %dma_start3A_24] : memref<2600000x16xf32, #tpu.memory_space<hbm>> -> memref<2600000x16xf32, #tpu.memory_space<hbm>>
      tpu.enqueue_indirect_dma source(%dma_start3A_25 : memref<2600000x16xf32, #tpu.memory_space<hbm>>) target(%dma_start3A_19 : memref<128x16xf32, #tpu.memory_space<vmem>>) offsets(%dma_start3A_22 : memref<128xi32, #tpu.memory_space<vmem>>) semaphore(%arg10 : memref<!tpu.dma_semaphore, #tpu.memory_space<semaphore_mem>>)
      %dma_start3A_26 = arith.constant 0 : i32
      %dma_start3A_27 = tpu.memref_slice %arg9[%dma_start3A_26] : memref<1664xf32, #tpu.memory_space<vmem>> -> memref<128xf32, #tpu.memory_space<vmem>>
      %dma_start3A_28 = arith.constant 0 : i32
      %dma_start3A_29 = tpu.memref_slice %arg7[%add3A_17, %dma_start3A_28] : memref<104x128xi32, #tpu.memory_space<vmem>> -> memref<1x128xi32, #tpu.memory_space<vmem>>
      %dma_start3A_30 = tpu.memref_squeeze %dma_start3A_29 : memref<1x128xi32, #tpu.memory_space<vmem>> -> memref<128xi32, #tpu.memory_space<vmem>>
      %dma_start3A_31 = arith.constant 0 : i32
      %dma_start3A_32 = tpu.memref_slice %arg4[%dma_start3A_31] : memref<2600000xf32, #tpu.memory_space<hbm>> -> memref<2600000xf32, #tpu.memory_space<hbm>>
      tpu.enqueue_indirect_dma source(%dma_start3A_32 : memref<2600000xf32, #tpu.memory_space<hbm>>) target(%dma_start3A_27 : memref<128xf32, #tpu.memory_space<vmem>>) offsets(%dma_start3A_30 : memref<128xi32, #tpu.memory_space<vmem>>) semaphore(%arg11 : memref<!tpu.dma_semaphore, #tpu.memory_space<semaphore_mem>>)
      %mul3A_33 = arith.constant 13 : i32
      %mul3A_34 = arith.muli %scan3A_8, %mul3A_33 : i32
      %add3A_35 = arith.constant 1 : i32
      %add3A_36 = arith.addi %mul3A_34, %add3A_35 : i32
      %dma_start3A_37 = arith.constant 128 : i32
      %dma_start3A_38 = arith.constant 0 : i32
      %dma_start3A_39 = tpu.memref_slice %arg8[%dma_start3A_37, %dma_start3A_38] : memref<1664x16xf32, #tpu.memory_space<vmem>> -> memref<128x16xf32, #tpu.memory_space<vmem>>
      %dma_start3A_40 = arith.constant 0 : i32
      %dma_start3A_41 = tpu.memref_slice %arg7[%add3A_36, %dma_start3A_40] : memref<104x128xi32, #tpu.memory_space<vmem>> -> memref<1x128xi32, #tpu.memory_space<vmem>>
      %dma_start3A_42 = tpu.memref_squeeze %dma_start3A_41 : memref<1x128xi32, #tpu.memory_space<vmem>> -> memref<128xi32, #tpu.memory_space<vmem>>
      %dma_start3A_43 = arith.constant 0 : i32
      %dma_start3A_44 = arith.constant 0 : i32
      %dma_start3A_45 = tpu.memref_slice %arg3[%dma_start3A_43, %dma_start3A_44] : memref<2600000x16xf32, #tpu.memory_space<hbm>> -> memref<2600000x16xf32, #tpu.memory_space<hbm>>
      tpu.enqueue_indirect_dma source(%dma_start3A_45 : memref<2600000x16xf32, #tpu.memory_space<hbm>>) target(%dma_start3A_39 : memref<128x16xf32, #tpu.memory_space<vmem>>) offsets(%dma_start3A_42 : memref<128xi32, #tpu.memory_space<vmem>>) semaphore(%arg10 : memref<!tpu.dma_semaphore, #tpu.memory_space<semaphore_mem>>)
      %dma_start3A_46 = arith.constant 128 : i32
      %dma_start3A_47 = tpu.memref_slice %arg9[%dma_start3A_46] : memref<1664xf32, #tpu.memory_space<vmem>> -> memref<128xf32, #tpu.memory_space<vmem>>
      %dma_start3A_48 = arith.constant 0 : i32
      %dma_start3A_49 = tpu.memref_slice %arg7[%add3A_36, %dma_start3A_48] : memref<104x128xi32, #tpu.memory_space<vmem>> -> memref<1x128xi32, #tpu.memory_space<vmem>>
      %dma_start3A_50 = tpu.memref_squeeze %dma_start3A_49 : memref<1x128xi32, #tpu.memory_space<vmem>> -> memref<128xi32, #tpu.memory_space<vmem>>
      %dma_start3A_51 = arith.constant 0 : i32
      %dma_start3A_52 = tpu.memref_slice %arg4[%dma_start3A_51] : memref<2600000xf32, #tpu.memory_space<hbm>> -> memref<2600000xf32, #tpu.memory_space<hbm>>
      tpu.enqueue_indirect_dma source(%dma_start3A_52 : memref<2600000xf32, #tpu.memory_space<hbm>>) target(%dma_start3A_47 : memref<128xf32, #tpu.memory_space<vmem>>) offsets(%dma_start3A_50 : memref<128xi32, #tpu.memory_space<vmem>>) semaphore(%arg11 : memref<!tpu.dma_semaphore, #tpu.memory_space<semaphore_mem>>)
      %mul3A_53 = arith.constant 13 : i32
      %mul3A_54 = arith.muli %scan3A_8, %mul3A_53 : i32
      %add3A_55 = arith.constant 2 : i32
      %add3A_56 = arith.addi %mul3A_54, %add3A_55 : i32
      %dma_start3A_57 = arith.constant 256 : i32
      %dma_start3A_58 = arith.constant 0 : i32
      %dma_start3A_59 = tpu.memref_slice %arg8[%dma_start3A_57, %dma_start3A_58] : memref<1664x16xf32, #tpu.memory_space<vmem>> -> memref<128x16xf32, #tpu.memory_space<vmem>>
      %dma_start3A_60 = arith.constant 0 : i32
      %dma_start3A_61 = tpu.memref_slice %arg7[%add3A_56, %dma_start3A_60] : memref<104x128xi32, #tpu.memory_space<vmem>> -> memref<1x128xi32, #tpu.memory_space<vmem>>
      %dma_start3A_62 = tpu.memref_squeeze %dma_start3A_61 : memref<1x128xi32, #tpu.memory_space<vmem>> -> memref<128xi32, #tpu.memory_space<vmem>>
      %dma_start3A_63 = arith.constant 0 : i32
      %dma_start3A_64 = arith.constant 0 : i32
      %dma_start3A_65 = tpu.memref_slice %arg3[%dma_start3A_63, %dma_start3A_64] : memref<2600000x16xf32, #tpu.memory_space<hbm>> -> memref<2600000x16xf32, #tpu.memory_space<hbm>>
      tpu.enqueue_indirect_dma source(%dma_start3A_65 : memref<2600000x16xf32, #tpu.memory_space<hbm>>) target(%dma_start3A_59 : memref<128x16xf32, #tpu.memory_space<vmem>>) offsets(%dma_start3A_62 : memref<128xi32, #tpu.memory_space<vmem>>) semaphore(%arg10 : memref<!tpu.dma_semaphore, #tpu.memory_space<semaphore_mem>>)
      %dma_start3A_66 = arith.constant 256 : i32
      %dma_start3A_67 = tpu.memref_slice %arg9[%dma_start3A_66] : memref<1664xf32, #tpu.memory_space<vmem>> -> memref<128xf32, #tpu.memory_space<vmem>>
      %dma_start3A_68 = arith.constant 0 : i32
      %dma_start3A_69 = tpu.memref_slice %arg7[%add3A_56, %dma_start3A_68] : memref<104x128xi32, #tpu.memory_space<vmem>> -> memref<1x128xi32, #tpu.memory_space<vmem>>
      %dma_start3A_70 = tpu.memref_squeeze %dma_start3A_69 : memref<1x128xi32, #tpu.memory_space<vmem>> -> memref<128xi32, #tpu.memory_space<vmem>>
      %dma_start3A_71 = arith.constant 0 : i32
      %dma_start3A_72 = tpu.memref_slice %arg4[%dma_start3A_71] : memref<2600000xf32, #tpu.memory_space<hbm>> -> memref<2600000xf32, #tpu.memory_space<hbm>>
      tpu.enqueue_indirect_dma source(%dma_start3A_72 : memref<2600000xf32, #tpu.memory_space<hbm>>) target(%dma_start3A_67 : memref<128xf32, #tpu.memory_space<vmem>>) offsets(%dma_start3A_70 : memref<128xi32, #tpu.memory_space<vmem>>) semaphore(%arg11 : memref<!tpu.dma_semaphore, #tpu.memory_space<semaphore_mem>>)
      %mul3A_73 = arith.constant 13 : i32
      %mul3A_74 = arith.muli %scan3A_8, %mul3A_73 : i32
      %add3A_75 = arith.constant 3 : i32
      %add3A_76 = arith.addi %mul3A_74, %add3A_75 : i32
      %dma_start3A_77 = arith.constant 384 : i32
      %dma_start3A_78 = arith.constant 0 : i32
      %dma_start3A_79 = tpu.memref_slice %arg8[%dma_start3A_77, %dma_start3A_78] : memref<1664x16xf32, #tpu.memory_space<vmem>> -> memref<128x16xf32, #tpu.memory_space<vmem>>
      %dma_start3A_80 = arith.constant 0 : i32
      %dma_start3A_81 = tpu.memref_slice %arg7[%add3A_76, %dma_start3A_80] : memref<104x128xi32, #tpu.memory_space<vmem>> -> memref<1x128xi32, #tpu.memory_space<vmem>>
      %dma_start3A_82 = tpu.memref_squeeze %dma_start3A_81 : memref<1x128xi32, #tpu.memory_space<vmem>> -> memref<128xi32, #tpu.memory_space<vmem>>
      %dma_start3A_83 = arith.constant 0 : i32
      %dma_start3A_84 = arith.constant 0 : i32
      %dma_start3A_85 = tpu.memref_slice %arg3[%dma_start3A_83, %dma_start3A_84] : memref<2600000x16xf32, #tpu.memory_space<hbm>> -> memref<2600000x16xf32, #tpu.memory_space<hbm>>
      tpu.enqueue_indirect_dma source(%dma_start3A_85 : memref<2600000x16xf32, #tpu.memory_space<hbm>>) target(%dma_start3A_79 : memref<128x16xf32, #tpu.memory_space<vmem>>) offsets(%dma_start3A_82 : memref<128xi32, #tpu.memory_space<vmem>>) semaphore(%arg10 : memref<!tpu.dma_semaphore, #tpu.memory_space<semaphore_mem>>)
      %dma_start3A_86 = arith.constant 384 : i32
      %dma_start3A_87 = tpu.memref_slice %arg9[%dma_start3A_86] : memref<1664xf32, #tpu.memory_space<vmem>> -> memref<128xf32, #tpu.memory_space<vmem>>
      %dma_start3A_88 = arith.constant 0 : i32
      %dma_start3A_89 = tpu.memref_slice %arg7[%add3A_76, %dma_start3A_88] : memref<104x128xi32, #tpu.memory_space<vmem>> -> memref<1x128xi32, #tpu.memory_space<vmem>>
      %dma_start3A_90 = tpu.memref_squeeze %dma_start3A_89 : memref<1x128xi32, #tpu.memory_space<vmem>> -> memref<128xi32, #tpu.memory_space<vmem>>
      %dma_start3A_91 = arith.constant 0 : i32
      %dma_start3A_92 = tpu.memref_slice %arg4[%dma_start3A_91] : memref<2600000xf32, #tpu.memory_space<hbm>> -> memref<2600000xf32, #tpu.memory_space<hbm>>
      tpu.enqueue_indirect_dma source(%dma_start3A_92 : memref<2600000xf32, #tpu.memory_space<hbm>>) target(%dma_start3A_87 : memref<128xf32, #tpu.memory_space<vmem>>) offsets(%dma_start3A_90 : memref<128xi32, #tpu.memory_space<vmem>>) semaphore(%arg11 : memref<!tpu.dma_semaphore, #tpu.memory_space<semaphore_mem>>)
      %mul3A_93 = arith.constant 13 : i32
      %mul3A_94 = arith.muli %scan3A_8, %mul3A_93 : i32
      %add3A_95 = arith.constant 4 : i32
      %add3A_96 = arith.addi %mul3A_94, %add3A_95 : i32
      %dma_start3A_97 = arith.constant 512 : i32
      %dma_start3A_98 = arith.constant 0 : i32
      %dma_start3A_99 = tpu.memref_slice %arg8[%dma_start3A_97, %dma_start3A_98] : memref<1664x16xf32, #tpu.memory_space<vmem>> -> memref<128x16xf32, #tpu.memory_space<vmem>>
      %dma_start3A_100 = arith.constant 0 : i32
      %dma_start3A_101 = tpu.memref_slice %arg7[%add3A_96, %dma_start3A_100] : memref<104x128xi32, #tpu.memory_space<vmem>> -> memref<1x128xi32, #tpu.memory_space<vmem>>
      %dma_start3A_102 = tpu.memref_squeeze %dma_start3A_101 : memref<1x128xi32, #tpu.memory_space<vmem>> -> memref<128xi32, #tpu.memory_space<vmem>>
      %dma_start3A_103 = arith.constant 0 : i32
      %dma_start3A_104 = arith.constant 0 : i32
      %dma_start3A_105 = tpu.memref_slice %arg3[%dma_start3A_103, %dma_start3A_104] : memref<2600000x16xf32, #tpu.memory_space<hbm>> -> memref<2600000x16xf32, #tpu.memory_space<hbm>>
      tpu.enqueue_indirect_dma source(%dma_start3A_105 : memref<2600000x16xf32, #tpu.memory_space<hbm>>) target(%dma_start3A_99 : memref<128x16xf32, #tpu.memory_space<vmem>>) offsets(%dma_start3A_102 : memref<128xi32, #tpu.memory_space<vmem>>) semaphore(%arg10 : memref<!tpu.dma_semaphore, #tpu.memory_space<semaphore_mem>>)
      %dma_start3A_106 = arith.constant 512 : i32
      %dma_start3A_107 = tpu.memref_slice %arg9[%dma_start3A_106] : memref<1664xf32, #tpu.memory_space<vmem>> -> memref<128xf32, #tpu.memory_space<vmem>>
      %dma_start3A_108 = arith.constant 0 : i32
      %dma_start3A_109 = tpu.memref_slice %arg7[%add3A_96, %dma_start3A_108] : memref<104x128xi32, #tpu.memory_space<vmem>> -> memref<1x128xi32, #tpu.memory_space<vmem>>
      %dma_start3A_110 = tpu.memref_squeeze %dma_start3A_109 : memref<1x128xi32, #tpu.memory_space<vmem>> -> memref<128xi32, #tpu.memory_space<vmem>>
      %dma_start3A_111 = arith.constant 0 : i32
      %dma_start3A_112 = tpu.memref_slice %arg4[%dma_start3A_111] : memref<2600000xf32, #tpu.memory_space<hbm>> -> memref<2600000xf32, #tpu.memory_space<hbm>>
      tpu.enqueue_indirect_dma source(%dma_start3A_112 : memref<2600000xf32, #tpu.memory_space<hbm>>) target(%dma_start3A_107 : memref<128xf32, #tpu.memory_space<vmem>>) offsets(%dma_start3A_110 : memref<128xi32, #tpu.memory_space<vmem>>) semaphore(%arg11 : memref<!tpu.dma_semaphore, #tpu.memory_space<semaphore_mem>>)
      %mul3A_113 = arith.constant 13 : i32
      %mul3A_114 = arith.muli %scan3A_8, %mul3A_113 : i32
      %add3A_115 = arith.constant 5 : i32
      %add3A_116 = arith.addi %mul3A_114, %add3A_115 : i32
      %dma_start3A_117 = arith.constant 640 : i32
      %dma_start3A_118 = arith.constant 0 : i32
      %dma_start3A_119 = tpu.memref_slice %arg8[%dma_start3A_117, %dma_start3A_118] : memref<1664x16xf32, #tpu.memory_space<vmem>> -> memref<128x16xf32, #tpu.memory_space<vmem>>
      %dma_start3A_120 = arith.constant 0 : i32
      %dma_start3A_121 = tpu.memref_slice %arg7[%add3A_116, %dma_start3A_120] : memref<104x128xi32, #tpu.memory_space<vmem>> -> memref<1x128xi32, #tpu.memory_space<vmem>>
      %dma_start3A_122 = tpu.memref_squeeze %dma_start3A_121 : memref<1x128xi32, #tpu.memory_space<vmem>> -> memref<128xi32, #tpu.memory_space<vmem>>
      %dma_start3A_123 = arith.constant 0 : i32
      %dma_start3A_124 = arith.constant 0 : i32
      %dma_start3A_125 = tpu.memref_slice %arg3[%dma_start3A_123, %dma_start3A_124] : memref<2600000x16xf32, #tpu.memory_space<hbm>> -> memref<2600000x16xf32, #tpu.memory_space<hbm>>
      tpu.enqueue_indirect_dma source(%dma_start3A_125 : memref<2600000x16xf32, #tpu.memory_space<hbm>>) target(%dma_start3A_119 : memref<128x16xf32, #tpu.memory_space<vmem>>) offsets(%dma_start3A_122 : memref<128xi32, #tpu.memory_space<vmem>>) semaphore(%arg10 : memref<!tpu.dma_semaphore, #tpu.memory_space<semaphore_mem>>)
      %dma_start3A_126 = arith.constant 640 : i32
      %dma_start3A_127 = tpu.memref_slice %arg9[%dma_start3A_126] : memref<1664xf32, #tpu.memory_space<vmem>> -> memref<128xf32, #tpu.memory_space<vmem>>
      %dma_start3A_128 = arith.constant 0 : i32
      %dma_start3A_129 = tpu.memref_slice %arg7[%add3A_116, %dma_start3A_128] : memref<104x128xi32, #tpu.memory_space<vmem>> -> memref<1x128xi32, #tpu.memory_space<vmem>>
      %dma_start3A_130 = tpu.memref_squeeze %dma_start3A_129 : memref<1x128xi32, #tpu.memory_space<vmem>> -> memref<128xi32, #tpu.memory_space<vmem>>
      %dma_start3A_131 = arith.constant 0 : i32
      %dma_start3A_132 = tpu.memref_slice %arg4[%dma_start3A_131] : memref<2600000xf32, #tpu.memory_space<hbm>> -> memref<2600000xf32, #tpu.memory_space<hbm>>
      tpu.enqueue_indirect_dma source(%dma_start3A_132 : memref<2600000xf32, #tpu.memory_space<hbm>>) target(%dma_start3A_127 : memref<128xf32, #tpu.memory_space<vmem>>) offsets(%dma_start3A_130 : memref<128xi32, #tpu.memory_space<vmem>>) semaphore(%arg11 : memref<!tpu.dma_semaphore, #tpu.memory_space<semaphore_mem>>)
      %mul3A_133 = arith.constant 13 : i32
      %mul3A_134 = arith.muli %scan3A_8, %mul3A_133 : i32
      %add3A_135 = arith.constant 6 : i32
      %add3A_136 = arith.addi %mul3A_134, %add3A_135 : i32
      %dma_start3A_137 = arith.constant 768 : i32
      %dma_start3A_138 = arith.constant 0 : i32
      %dma_start3A_139 = tpu.memref_slice %arg8[%dma_start3A_137, %dma_start3A_138] : memref<1664x16xf32, #tpu.memory_space<vmem>> -> memref<128x16xf32, #tpu.memory_space<vmem>>
      %dma_start3A_140 = arith.constant 0 : i32
      %dma_start3A_141 = tpu.memref_slice %arg7[%add3A_136, %dma_start3A_140] : memref<104x128xi32, #tpu.memory_space<vmem>> -> memref<1x128xi32, #tpu.memory_space<vmem>>
      %dma_start3A_142 = tpu.memref_squeeze %dma_start3A_141 : memref<1x128xi32, #tpu.memory_space<vmem>> -> memref<128xi32, #tpu.memory_space<vmem>>
      %dma_start3A_143 = arith.constant 0 : i32
      %dma_start3A_144 = arith.constant 0 : i32
      %dma_start3A_145 = tpu.memref_slice %arg3[%dma_start3A_143, %dma_start3A_144] : memref<2600000x16xf32, #tpu.memory_space<hbm>> -> memref<2600000x16xf32, #tpu.memory_space<hbm>>
      tpu.enqueue_indirect_dma source(%dma_start3A_145 : memref<2600000x16xf32, #tpu.memory_space<hbm>>) target(%dma_start3A_139 : memref<128x16xf32, #tpu.memory_space<vmem>>) offsets(%dma_start3A_142 : memref<128xi32, #tpu.memory_space<vmem>>) semaphore(%arg10 : memref<!tpu.dma_semaphore, #tpu.memory_space<semaphore_mem>>)
      %dma_start3A_146 = arith.constant 768 : i32
      %dma_start3A_147 = tpu.memref_slice %arg9[%dma_start3A_146] : memref<1664xf32, #tpu.memory_space<vmem>> -> memref<128xf32, #tpu.memory_space<vmem>>
      %dma_start3A_148 = arith.constant 0 : i32
      %dma_start3A_149 = tpu.memref_slice %arg7[%add3A_136, %dma_start3A_148] : memref<104x128xi32, #tpu.memory_space<vmem>> -> memref<1x128xi32, #tpu.memory_space<vmem>>
      %dma_start3A_150 = tpu.memref_squeeze %dma_start3A_149 : memref<1x128xi32, #tpu.memory_space<vmem>> -> memref<128xi32, #tpu.memory_space<vmem>>
      %dma_start3A_151 = arith.constant 0 : i32
      %dma_start3A_152 = tpu.memref_slice %arg4[%dma_start3A_151] : memref<2600000xf32, #tpu.memory_space<hbm>> -> memref<2600000xf32, #tpu.memory_space<hbm>>
      tpu.enqueue_indirect_dma source(%dma_start3A_152 : memref<2600000xf32, #tpu.memory_space<hbm>>) target(%dma_start3A_147 : memref<128xf32, #tpu.memory_space<vmem>>) offsets(%dma_start3A_150 : memref<128xi32, #tpu.memory_space<vmem>>) semaphore(%arg11 : memref<!tpu.dma_semaphore, #tpu.memory_space<semaphore_mem>>)
      %mul3A_153 = arith.constant 13 : i32
      %mul3A_154 = arith.muli %scan3A_8, %mul3A_153 : i32
      %add3A_155 = arith.constant 7 : i32
      %add3A_156 = arith.addi %mul3A_154, %add3A_155 : i32
      %dma_start3A_157 = arith.constant 896 : i32
      %dma_start3A_158 = arith.constant 0 : i32
      %dma_start3A_159 = tpu.memref_slice %arg8[%dma_start3A_157, %dma_start3A_158] : memref<1664x16xf32, #tpu.memory_space<vmem>> -> memref<128x16xf32, #tpu.memory_space<vmem>>
      %dma_start3A_160 = arith.constant 0 : i32
      %dma_start3A_161 = tpu.memref_slice %arg7[%add3A_156, %dma_start3A_160] : memref<104x128xi32, #tpu.memory_space<vmem>> -> memref<1x128xi32, #tpu.memory_space<vmem>>
      %dma_start3A_162 = tpu.memref_squeeze %dma_start3A_161 : memref<1x128xi32, #tpu.memory_space<vmem>> -> memref<128xi32, #tpu.memory_space<vmem>>
      %dma_start3A_163 = arith.constant 0 : i32
      %dma_start3A_164 = arith.constant 0 : i32
      %dma_start3A_165 = tpu.memref_slice %arg3[%dma_start3A_163, %dma_start3A_164] : memref<2600000x16xf32, #tpu.memory_space<hbm>> -> memref<2600000x16xf32, #tpu.memory_space<hbm>>
      tpu.enqueue_indirect_dma source(%dma_start3A_165 : memref<2600000x16xf32, #tpu.memory_space<hbm>>) target(%dma_start3A_159 : memref<128x16xf32, #tpu.memory_space<vmem>>) offsets(%dma_start3A_162 : memref<128xi32, #tpu.memory_space<vmem>>) semaphore(%arg10 : memref<!tpu.dma_semaphore, #tpu.memory_space<semaphore_mem>>)
      %dma_start3A_166 = arith.constant 896 : i32
      %dma_start3A_167 = tpu.memref_slice %arg9[%dma_start3A_166] : memref<1664xf32, #tpu.memory_space<vmem>> -> memref<128xf32, #tpu.memory_space<vmem>>
      %dma_start3A_168 = arith.constant 0 : i32
      %dma_start3A_169 = tpu.memref_slice %arg7[%add3A_156, %dma_start3A_168] : memref<104x128xi32, #tpu.memory_space<vmem>> -> memref<1x128xi32, #tpu.memory_space<vmem>>
      %dma_start3A_170 = tpu.memref_squeeze %dma_start3A_169 : memref<1x128xi32, #tpu.memory_space<vmem>> -> memref<128xi32, #tpu.memory_space<vmem>>
      %dma_start3A_171 = arith.constant 0 : i32
      %dma_start3A_172 = tpu.memref_slice %arg4[%dma_start3A_171] : memref<2600000xf32, #tpu.memory_space<hbm>> -> memref<2600000xf32, #tpu.memory_space<hbm>>
      tpu.enqueue_indirect_dma source(%dma_start3A_172 : memref<2600000xf32, #tpu.memory_space<hbm>>) target(%dma_start3A_167 : memref<128xf32, #tpu.memory_space<vmem>>) offsets(%dma_start3A_170 : memref<128xi32, #tpu.memory_space<vmem>>) semaphore(%arg11 : memref<!tpu.dma_semaphore, #tpu.memory_space<semaphore_mem>>)
      %mul3A_173 = arith.constant 13 : i32
      %mul3A_174 = arith.muli %scan3A_8, %mul3A_173 : i32
      %add3A_175 = arith.constant 8 : i32
      %add3A_176 = arith.addi %mul3A_174, %add3A_175 : i32
      %dma_start3A_177 = arith.constant 1024 : i32
      %dma_start3A_178 = arith.constant 0 : i32
      %dma_start3A_179 = tpu.memref_slice %arg8[%dma_start3A_177, %dma_start3A_178] : memref<1664x16xf32, #tpu.memory_space<vmem>> -> memref<128x16xf32, #tpu.memory_space<vmem>>
      %dma_start3A_180 = arith.constant 0 : i32
      %dma_start3A_181 = tpu.memref_slice %arg7[%add3A_176, %dma_start3A_180] : memref<104x128xi32, #tpu.memory_space<vmem>> -> memref<1x128xi32, #tpu.memory_space<vmem>>
      %dma_start3A_182 = tpu.memref_squeeze %dma_start3A_181 : memref<1x128xi32, #tpu.memory_space<vmem>> -> memref<128xi32, #tpu.memory_space<vmem>>
      %dma_start3A_183 = arith.constant 0 : i32
      %dma_start3A_184 = arith.constant 0 : i32
      %dma_start3A_185 = tpu.memref_slice %arg3[%dma_start3A_183, %dma_start3A_184] : memref<2600000x16xf32, #tpu.memory_space<hbm>> -> memref<2600000x16xf32, #tpu.memory_space<hbm>>
      tpu.enqueue_indirect_dma source(%dma_start3A_185 : memref<2600000x16xf32, #tpu.memory_space<hbm>>) target(%dma_start3A_179 : memref<128x16xf32, #tpu.memory_space<vmem>>) offsets(%dma_start3A_182 : memref<128xi32, #tpu.memory_space<vmem>>) semaphore(%arg10 : memref<!tpu.dma_semaphore, #tpu.memory_space<semaphore_mem>>)
      %dma_start3A_186 = arith.constant 1024 : i32
      %dma_start3A_187 = tpu.memref_slice %arg9[%dma_start3A_186] : memref<1664xf32, #tpu.memory_space<vmem>> -> memref<128xf32, #tpu.memory_space<vmem>>
      %dma_start3A_188 = arith.constant 0 : i32
      %dma_start3A_189 = tpu.memref_slice %arg7[%add3A_176, %dma_start3A_188] : memref<104x128xi32, #tpu.memory_space<vmem>> -> memref<1x128xi32, #tpu.memory_space<vmem>>
      %dma_start3A_190 = tpu.memref_squeeze %dma_start3A_189 : memref<1x128xi32, #tpu.memory_space<vmem>> -> memref<128xi32, #tpu.memory_space<vmem>>
      %dma_start3A_191 = arith.constant 0 : i32
      %dma_start3A_192 = tpu.memref_slice %arg4[%dma_start3A_191] : memref<2600000xf32, #tpu.memory_space<hbm>> -> memref<2600000xf32, #tpu.memory_space<hbm>>
      tpu.enqueue_indirect_dma source(%dma_start3A_192 : memref<2600000xf32, #tpu.memory_space<hbm>>) target(%dma_start3A_187 : memref<128xf32, #tpu.memory_space<vmem>>) offsets(%dma_start3A_190 : memref<128xi32, #tpu.memory_space<vmem>>) semaphore(%arg11 : memref<!tpu.dma_semaphore, #tpu.memory_space<semaphore_mem>>)
      %mul3A_193 = arith.constant 13 : i32
      %mul3A_194 = arith.muli %scan3A_8, %mul3A_193 : i32
      %add3A_195 = arith.constant 9 : i32
      %add3A_196 = arith.addi %mul3A_194, %add3A_195 : i32
      %dma_start3A_197 = arith.constant 1152 : i32
      %dma_start3A_198 = arith.constant 0 : i32
      %dma_start3A_199 = tpu.memref_slice %arg8[%dma_start3A_197, %dma_start3A_198] : memref<1664x16xf32, #tpu.memory_space<vmem>> -> memref<128x16xf32, #tpu.memory_space<vmem>>
      %dma_start3A_200 = arith.constant 0 : i32
      %dma_start3A_201 = tpu.memref_slice %arg7[%add3A_196, %dma_start3A_200] : memref<104x128xi32, #tpu.memory_space<vmem>> -> memref<1x128xi32, #tpu.memory_space<vmem>>
      %dma_start3A_202 = tpu.memref_squeeze %dma_start3A_201 : memref<1x128xi32, #tpu.memory_space<vmem>> -> memref<128xi32, #tpu.memory_space<vmem>>
      %dma_start3A_203 = arith.constant 0 : i32
      %dma_start3A_204 = arith.constant 0 : i32
      %dma_start3A_205 = tpu.memref_slice %arg3[%dma_start3A_203, %dma_start3A_204] : memref<2600000x16xf32, #tpu.memory_space<hbm>> -> memref<2600000x16xf32, #tpu.memory_space<hbm>>
      tpu.enqueue_indirect_dma source(%dma_start3A_205 : memref<2600000x16xf32, #tpu.memory_space<hbm>>) target(%dma_start3A_199 : memref<128x16xf32, #tpu.memory_space<vmem>>) offsets(%dma_start3A_202 : memref<128xi32, #tpu.memory_space<vmem>>) semaphore(%arg10 : memref<!tpu.dma_semaphore, #tpu.memory_space<semaphore_mem>>)
      %dma_start3A_206 = arith.constant 1152 : i32
      %dma_start3A_207 = tpu.memref_slice %arg9[%dma_start3A_206] : memref<1664xf32, #tpu.memory_space<vmem>> -> memref<128xf32, #tpu.memory_space<vmem>>
      %dma_start3A_208 = arith.constant 0 : i32
      %dma_start3A_209 = tpu.memref_slice %arg7[%add3A_196, %dma_start3A_208] : memref<104x128xi32, #tpu.memory_space<vmem>> -> memref<1x128xi32, #tpu.memory_space<vmem>>
      %dma_start3A_210 = tpu.memref_squeeze %dma_start3A_209 : memref<1x128xi32, #tpu.memory_space<vmem>> -> memref<128xi32, #tpu.memory_space<vmem>>
      %dma_start3A_211 = arith.constant 0 : i32
      %dma_start3A_212 = tpu.memref_slice %arg4[%dma_start3A_211] : memref<2600000xf32, #tpu.memory_space<hbm>> -> memref<2600000xf32, #tpu.memory_space<hbm>>
      tpu.enqueue_indirect_dma source(%dma_start3A_212 : memref<2600000xf32, #tpu.memory_space<hbm>>) target(%dma_start3A_207 : memref<128xf32, #tpu.memory_space<vmem>>) offsets(%dma_start3A_210 : memref<128xi32, #tpu.memory_space<vmem>>) semaphore(%arg11 : memref<!tpu.dma_semaphore, #tpu.memory_space<semaphore_mem>>)
      %mul3A_213 = arith.constant 13 : i32
      %mul3A_214 = arith.muli %scan3A_8, %mul3A_213 : i32
      %add3A_215 = arith.constant 10 : i32
      %add3A_216 = arith.addi %mul3A_214, %add3A_215 : i32
      %dma_start3A_217 = arith.constant 1280 : i32
      %dma_start3A_218 = arith.constant 0 : i32
      %dma_start3A_219 = tpu.memref_slice %arg8[%dma_start3A_217, %dma_start3A_218] : memref<1664x16xf32, #tpu.memory_space<vmem>> -> memref<128x16xf32, #tpu.memory_space<vmem>>
      %dma_start3A_220 = arith.constant 0 : i32
      %dma_start3A_221 = tpu.memref_slice %arg7[%add3A_216, %dma_start3A_220] : memref<104x128xi32, #tpu.memory_space<vmem>> -> memref<1x128xi32, #tpu.memory_space<vmem>>
      %dma_start3A_222 = tpu.memref_squeeze %dma_start3A_221 : memref<1x128xi32, #tpu.memory_space<vmem>> -> memref<128xi32, #tpu.memory_space<vmem>>
      %dma_start3A_223 = arith.constant 0 : i32
      %dma_start3A_224 = arith.constant 0 : i32
      %dma_start3A_225 = tpu.memref_slice %arg3[%dma_start3A_223, %dma_start3A_224] : memref<2600000x16xf32, #tpu.memory_space<hbm>> -> memref<2600000x16xf32, #tpu.memory_space<hbm>>
      tpu.enqueue_indirect_dma source(%dma_start3A_225 : memref<2600000x16xf32, #tpu.memory_space<hbm>>) target(%dma_start3A_219 : memref<128x16xf32, #tpu.memory_space<vmem>>) offsets(%dma_start3A_222 : memref<128xi32, #tpu.memory_space<vmem>>) semaphore(%arg10 : memref<!tpu.dma_semaphore, #tpu.memory_space<semaphore_mem>>)
      %dma_start3A_226 = arith.constant 1280 : i32
      %dma_start3A_227 = tpu.memref_slice %arg9[%dma_start3A_226] : memref<1664xf32, #tpu.memory_space<vmem>> -> memref<128xf32, #tpu.memory_space<vmem>>
      %dma_start3A_228 = arith.constant 0 : i32
      %dma_start3A_229 = tpu.memref_slice %arg7[%add3A_216, %dma_start3A_228] : memref<104x128xi32, #tpu.memory_space<vmem>> -> memref<1x128xi32, #tpu.memory_space<vmem>>
      %dma_start3A_230 = tpu.memref_squeeze %dma_start3A_229 : memref<1x128xi32, #tpu.memory_space<vmem>> -> memref<128xi32, #tpu.memory_space<vmem>>
      %dma_start3A_231 = arith.constant 0 : i32
      %dma_start3A_232 = tpu.memref_slice %arg4[%dma_start3A_231] : memref<2600000xf32, #tpu.memory_space<hbm>> -> memref<2600000xf32, #tpu.memory_space<hbm>>
      tpu.enqueue_indirect_dma source(%dma_start3A_232 : memref<2600000xf32, #tpu.memory_space<hbm>>) target(%dma_start3A_227 : memref<128xf32, #tpu.memory_space<vmem>>) offsets(%dma_start3A_230 : memref<128xi32, #tpu.memory_space<vmem>>) semaphore(%arg11 : memref<!tpu.dma_semaphore, #tpu.memory_space<semaphore_mem>>)
      %mul3A_233 = arith.constant 13 : i32
      %mul3A_234 = arith.muli %scan3A_8, %mul3A_233 : i32
      %add3A_235 = arith.constant 11 : i32
      %add3A_236 = arith.addi %mul3A_234, %add3A_235 : i32
      %dma_start3A_237 = arith.constant 1408 : i32
      %dma_start3A_238 = arith.constant 0 : i32
      %dma_start3A_239 = tpu.memref_slice %arg8[%dma_start3A_237, %dma_start3A_238] : memref<1664x16xf32, #tpu.memory_space<vmem>> -> memref<128x16xf32, #tpu.memory_space<vmem>>
      %dma_start3A_240 = arith.constant 0 : i32
      %dma_start3A_241 = tpu.memref_slice %arg7[%add3A_236, %dma_start3A_240] : memref<104x128xi32, #tpu.memory_space<vmem>> -> memref<1x128xi32, #tpu.memory_space<vmem>>
      %dma_start3A_242 = tpu.memref_squeeze %dma_start3A_241 : memref<1x128xi32, #tpu.memory_space<vmem>> -> memref<128xi32, #tpu.memory_space<vmem>>
      %dma_start3A_243 = arith.constant 0 : i32
      %dma_start3A_244 = arith.constant 0 : i32
      %dma_start3A_245 = tpu.memref_slice %arg3[%dma_start3A_243, %dma_start3A_244] : memref<2600000x16xf32, #tpu.memory_space<hbm>> -> memref<2600000x16xf32, #tpu.memory_space<hbm>>
      tpu.enqueue_indirect_dma source(%dma_start3A_245 : memref<2600000x16xf32, #tpu.memory_space<hbm>>) target(%dma_start3A_239 : memref<128x16xf32, #tpu.memory_space<vmem>>) offsets(%dma_start3A_242 : memref<128xi32, #tpu.memory_space<vmem>>) semaphore(%arg10 : memref<!tpu.dma_semaphore, #tpu.memory_space<semaphore_mem>>)
      %dma_start3A_246 = arith.constant 1408 : i32
      %dma_start3A_247 = tpu.memref_slice %arg9[%dma_start3A_246] : memref<1664xf32, #tpu.memory_space<vmem>> -> memref<128xf32, #tpu.memory_space<vmem>>
      %dma_start3A_248 = arith.constant 0 : i32
      %dma_start3A_249 = tpu.memref_slice %arg7[%add3A_236, %dma_start3A_248] : memref<104x128xi32, #tpu.memory_space<vmem>> -> memref<1x128xi32, #tpu.memory_space<vmem>>
      %dma_start3A_250 = tpu.memref_squeeze %dma_start3A_249 : memref<1x128xi32, #tpu.memory_space<vmem>> -> memref<128xi32, #tpu.memory_space<vmem>>
      %dma_start3A_251 = arith.constant 0 : i32
      %dma_start3A_252 = tpu.memref_slice %arg4[%dma_start3A_251] : memref<2600000xf32, #tpu.memory_space<hbm>> -> memref<2600000xf32, #tpu.memory_space<hbm>>
      tpu.enqueue_indirect_dma source(%dma_start3A_252 : memref<2600000xf32, #tpu.memory_space<hbm>>) target(%dma_start3A_247 : memref<128xf32, #tpu.memory_space<vmem>>) offsets(%dma_start3A_250 : memref<128xi32, #tpu.memory_space<vmem>>) semaphore(%arg11 : memref<!tpu.dma_semaphore, #tpu.memory_space<semaphore_mem>>)
      %mul3A_253 = arith.constant 13 : i32
      %mul3A_254 = arith.muli %scan3A_8, %mul3A_253 : i32
      %add3A_255 = arith.constant 12 : i32
      %add3A_256 = arith.addi %mul3A_254, %add3A_255 : i32
      %dma_start3A_257 = arith.constant 1536 : i32
      %dma_start3A_258 = arith.constant 0 : i32
      %dma_start3A_259 = tpu.memref_slice %arg8[%dma_start3A_257, %dma_start3A_258] : memref<1664x16xf32, #tpu.memory_space<vmem>> -> memref<128x16xf32, #tpu.memory_space<vmem>>
      %dma_start3A_260 = arith.constant 0 : i32
      %dma_start3A_261 = tpu.memref_slice %arg7[%add3A_256, %dma_start3A_260] : memref<104x128xi32, #tpu.memory_space<vmem>> -> memref<1x128xi32, #tpu.memory_space<vmem>>
      %dma_start3A_262 = tpu.memref_squeeze %dma_start3A_261 : memref<1x128xi32, #tpu.memory_space<vmem>> -> memref<128xi32, #tpu.memory_space<vmem>>
      %dma_start3A_263 = arith.constant 0 : i32
      %dma_start3A_264 = arith.constant 0 : i32
      %dma_start3A_265 = tpu.memref_slice %arg3[%dma_start3A_263, %dma_start3A_264] : memref<2600000x16xf32, #tpu.memory_space<hbm>> -> memref<2600000x16xf32, #tpu.memory_space<hbm>>
      tpu.enqueue_indirect_dma source(%dma_start3A_265 : memref<2600000x16xf32, #tpu.memory_space<hbm>>) target(%dma_start3A_259 : memref<128x16xf32, #tpu.memory_space<vmem>>) offsets(%dma_start3A_262 : memref<128xi32, #tpu.memory_space<vmem>>) semaphore(%arg10 : memref<!tpu.dma_semaphore, #tpu.memory_space<semaphore_mem>>)
      %dma_start3A_266 = arith.constant 1536 : i32
      %dma_start3A_267 = tpu.memref_slice %arg9[%dma_start3A_266] : memref<1664xf32, #tpu.memory_space<vmem>> -> memref<128xf32, #tpu.memory_space<vmem>>
      %dma_start3A_268 = arith.constant 0 : i32
      %dma_start3A_269 = tpu.memref_slice %arg7[%add3A_256, %dma_start3A_268] : memref<104x128xi32, #tpu.memory_space<vmem>> -> memref<1x128xi32, #tpu.memory_space<vmem>>
      %dma_start3A_270 = tpu.memref_squeeze %dma_start3A_269 : memref<1x128xi32, #tpu.memory_space<vmem>> -> memref<128xi32, #tpu.memory_space<vmem>>
      %dma_start3A_271 = arith.constant 0 : i32
      %dma_start3A_272 = tpu.memref_slice %arg4[%dma_start3A_271] : memref<2600000xf32, #tpu.memory_space<hbm>> -> memref<2600000xf32, #tpu.memory_space<hbm>>
      tpu.enqueue_indirect_dma source(%dma_start3A_272 : memref<2600000xf32, #tpu.memory_space<hbm>>) target(%dma_start3A_267 : memref<128xf32, #tpu.memory_space<vmem>>) offsets(%dma_start3A_270 : memref<128xi32, #tpu.memory_space<vmem>>) semaphore(%arg11 : memref<!tpu.dma_semaphore, #tpu.memory_space<semaphore_mem>>)
      %dma_wait3A = arith.constant 0 : i32
      %dma_wait3A_273 = arith.constant 0 : i32
      %dma_wait3A_274 = tpu.memref_slice %arg8[%dma_wait3A, %dma_wait3A_273] : memref<1664x16xf32, #tpu.memory_space<vmem>> -> memref<128x16xf32, #tpu.memory_space<vmem>>
      %dma_wait3A_275 = arith.constant 0 : i32
      %dma_wait3A_276 = tpu.memref_slice %arg7[%add3A_17, %dma_wait3A_275] : memref<104x128xi32, #tpu.memory_space<vmem>> -> memref<1x128xi32, #tpu.memory_space<vmem>>
      %dma_wait3A_277 = tpu.memref_squeeze %dma_wait3A_276 : memref<1x128xi32, #tpu.memory_space<vmem>> -> memref<128xi32, #tpu.memory_space<vmem>>
      %dma_wait3A_278 = arith.constant 0 : i32
      %dma_wait3A_279 = arith.constant 0 : i32
      %dma_wait3A_280 = tpu.memref_slice %arg3[%dma_wait3A_278, %dma_wait3A_279] : memref<2600000x16xf32, #tpu.memory_space<hbm>> -> memref<2600000x16xf32, #tpu.memory_space<hbm>>
      tpu.wait_indirect_dma semaphore(%arg10 : memref<!tpu.dma_semaphore, #tpu.memory_space<semaphore_mem>>) src(%dma_wait3A_280 : memref<2600000x16xf32, #tpu.memory_space<hbm>>) dst(%dma_wait3A_274 : memref<128x16xf32, #tpu.memory_space<vmem>>)
      %dma_wait3A_281 = arith.constant 0 : i32
      %dma_wait3A_282 = tpu.memref_slice %arg9[%dma_wait3A_281] : memref<1664xf32, #tpu.memory_space<vmem>> -> memref<128xf32, #tpu.memory_space<vmem>>
      %dma_wait3A_283 = arith.constant 0 : i32
      %dma_wait3A_284 = tpu.memref_slice %arg7[%add3A_17, %dma_wait3A_283] : memref<104x128xi32, #tpu.memory_space<vmem>> -> memref<1x128xi32, #tpu.memory_space<vmem>>
      %dma_wait3A_285 = tpu.memref_squeeze %dma_wait3A_284 : memref<1x128xi32, #tpu.memory_space<vmem>> -> memref<128xi32, #tpu.memory_space<vmem>>
      %dma_wait3A_286 = arith.constant 0 : i32
      %dma_wait3A_287 = tpu.memref_slice %arg4[%dma_wait3A_286] : memref<2600000xf32, #tpu.memory_space<hbm>> -> memref<2600000xf32, #tpu.memory_space<hbm>>
      tpu.wait_indirect_dma semaphore(%arg11 : memref<!tpu.dma_semaphore, #tpu.memory_space<semaphore_mem>>) src(%dma_wait3A_287 : memref<2600000xf32, #tpu.memory_space<hbm>>) dst(%dma_wait3A_282 : memref<128xf32, #tpu.memory_space<vmem>>)
      %dma_wait3A_288 = arith.constant 128 : i32
      %dma_wait3A_289 = arith.constant 0 : i32
      %dma_wait3A_290 = tpu.memref_slice %arg8[%dma_wait3A_288, %dma_wait3A_289] : memref<1664x16xf32, #tpu.memory_space<vmem>> -> memref<128x16xf32, #tpu.memory_space<vmem>>
      %dma_wait3A_291 = arith.constant 0 : i32
      %dma_wait3A_292 = tpu.memref_slice %arg7[%add3A_36, %dma_wait3A_291] : memref<104x128xi32, #tpu.memory_space<vmem>> -> memref<1x128xi32, #tpu.memory_space<vmem>>
      %dma_wait3A_293 = tpu.memref_squeeze %dma_wait3A_292 : memref<1x128xi32, #tpu.memory_space<vmem>> -> memref<128xi32, #tpu.memory_space<vmem>>
      %dma_wait3A_294 = arith.constant 0 : i32
      %dma_wait3A_295 = arith.constant 0 : i32
      %dma_wait3A_296 = tpu.memref_slice %arg3[%dma_wait3A_294, %dma_wait3A_295] : memref<2600000x16xf32, #tpu.memory_space<hbm>> -> memref<2600000x16xf32, #tpu.memory_space<hbm>>
      tpu.wait_indirect_dma semaphore(%arg10 : memref<!tpu.dma_semaphore, #tpu.memory_space<semaphore_mem>>) src(%dma_wait3A_296 : memref<2600000x16xf32, #tpu.memory_space<hbm>>) dst(%dma_wait3A_290 : memref<128x16xf32, #tpu.memory_space<vmem>>)
      %dma_wait3A_297 = arith.constant 128 : i32
      %dma_wait3A_298 = tpu.memref_slice %arg9[%dma_wait3A_297] : memref<1664xf32, #tpu.memory_space<vmem>> -> memref<128xf32, #tpu.memory_space<vmem>>
      %dma_wait3A_299 = arith.constant 0 : i32
      %dma_wait3A_300 = tpu.memref_slice %arg7[%add3A_36, %dma_wait3A_299] : memref<104x128xi32, #tpu.memory_space<vmem>> -> memref<1x128xi32, #tpu.memory_space<vmem>>
      %dma_wait3A_301 = tpu.memref_squeeze %dma_wait3A_300 : memref<1x128xi32, #tpu.memory_space<vmem>> -> memref<128xi32, #tpu.memory_space<vmem>>
      %dma_wait3A_302 = arith.constant 0 : i32
      %dma_wait3A_303 = tpu.memref_slice %arg4[%dma_wait3A_302] : memref<2600000xf32, #tpu.memory_space<hbm>> -> memref<2600000xf32, #tpu.memory_space<hbm>>
      tpu.wait_indirect_dma semaphore(%arg11 : memref<!tpu.dma_semaphore, #tpu.memory_space<semaphore_mem>>) src(%dma_wait3A_303 : memref<2600000xf32, #tpu.memory_space<hbm>>) dst(%dma_wait3A_298 : memref<128xf32, #tpu.memory_space<vmem>>)
      %dma_wait3A_304 = arith.constant 256 : i32
      %dma_wait3A_305 = arith.constant 0 : i32
      %dma_wait3A_306 = tpu.memref_slice %arg8[%dma_wait3A_304, %dma_wait3A_305] : memref<1664x16xf32, #tpu.memory_space<vmem>> -> memref<128x16xf32, #tpu.memory_space<vmem>>
      %dma_wait3A_307 = arith.constant 0 : i32
      %dma_wait3A_308 = tpu.memref_slice %arg7[%add3A_56, %dma_wait3A_307] : memref<104x128xi32, #tpu.memory_space<vmem>> -> memref<1x128xi32, #tpu.memory_space<vmem>>
      %dma_wait3A_309 = tpu.memref_squeeze %dma_wait3A_308 : memref<1x128xi32, #tpu.memory_space<vmem>> -> memref<128xi32, #tpu.memory_space<vmem>>
      %dma_wait3A_310 = arith.constant 0 : i32
      %dma_wait3A_311 = arith.constant 0 : i32
      %dma_wait3A_312 = tpu.memref_slice %arg3[%dma_wait3A_310, %dma_wait3A_311] : memref<2600000x16xf32, #tpu.memory_space<hbm>> -> memref<2600000x16xf32, #tpu.memory_space<hbm>>
      tpu.wait_indirect_dma semaphore(%arg10 : memref<!tpu.dma_semaphore, #tpu.memory_space<semaphore_mem>>) src(%dma_wait3A_312 : memref<2600000x16xf32, #tpu.memory_space<hbm>>) dst(%dma_wait3A_306 : memref<128x16xf32, #tpu.memory_space<vmem>>)
      %dma_wait3A_313 = arith.constant 256 : i32
      %dma_wait3A_314 = tpu.memref_slice %arg9[%dma_wait3A_313] : memref<1664xf32, #tpu.memory_space<vmem>> -> memref<128xf32, #tpu.memory_space<vmem>>
      %dma_wait3A_315 = arith.constant 0 : i32
      %dma_wait3A_316 = tpu.memref_slice %arg7[%add3A_56, %dma_wait3A_315] : memref<104x128xi32, #tpu.memory_space<vmem>> -> memref<1x128xi32, #tpu.memory_space<vmem>>
      %dma_wait3A_317 = tpu.memref_squeeze %dma_wait3A_316 : memref<1x128xi32, #tpu.memory_space<vmem>> -> memref<128xi32, #tpu.memory_space<vmem>>
      %dma_wait3A_318 = arith.constant 0 : i32
      %dma_wait3A_319 = tpu.memref_slice %arg4[%dma_wait3A_318] : memref<2600000xf32, #tpu.memory_space<hbm>> -> memref<2600000xf32, #tpu.memory_space<hbm>>
      tpu.wait_indirect_dma semaphore(%arg11 : memref<!tpu.dma_semaphore, #tpu.memory_space<semaphore_mem>>) src(%dma_wait3A_319 : memref<2600000xf32, #tpu.memory_space<hbm>>) dst(%dma_wait3A_314 : memref<128xf32, #tpu.memory_space<vmem>>)
      %dma_wait3A_320 = arith.constant 384 : i32
      %dma_wait3A_321 = arith.constant 0 : i32
      %dma_wait3A_322 = tpu.memref_slice %arg8[%dma_wait3A_320, %dma_wait3A_321] : memref<1664x16xf32, #tpu.memory_space<vmem>> -> memref<128x16xf32, #tpu.memory_space<vmem>>
      %dma_wait3A_323 = arith.constant 0 : i32
      %dma_wait3A_324 = tpu.memref_slice %arg7[%add3A_76, %dma_wait3A_323] : memref<104x128xi32, #tpu.memory_space<vmem>> -> memref<1x128xi32, #tpu.memory_space<vmem>>
      %dma_wait3A_325 = tpu.memref_squeeze %dma_wait3A_324 : memref<1x128xi32, #tpu.memory_space<vmem>> -> memref<128xi32, #tpu.memory_space<vmem>>
      %dma_wait3A_326 = arith.constant 0 : i32
      %dma_wait3A_327 = arith.constant 0 : i32
      %dma_wait3A_328 = tpu.memref_slice %arg3[%dma_wait3A_326, %dma_wait3A_327] : memref<2600000x16xf32, #tpu.memory_space<hbm>> -> memref<2600000x16xf32, #tpu.memory_space<hbm>>
      tpu.wait_indirect_dma semaphore(%arg10 : memref<!tpu.dma_semaphore, #tpu.memory_space<semaphore_mem>>) src(%dma_wait3A_328 : memref<2600000x16xf32, #tpu.memory_space<hbm>>) dst(%dma_wait3A_322 : memref<128x16xf32, #tpu.memory_space<vmem>>)
      %dma_wait3A_329 = arith.constant 384 : i32
      %dma_wait3A_330 = tpu.memref_slice %arg9[%dma_wait3A_329] : memref<1664xf32, #tpu.memory_space<vmem>> -> memref<128xf32, #tpu.memory_space<vmem>>
      %dma_wait3A_331 = arith.constant 0 : i32
      %dma_wait3A_332 = tpu.memref_slice %arg7[%add3A_76, %dma_wait3A_331] : memref<104x128xi32, #tpu.memory_space<vmem>> -> memref<1x128xi32, #tpu.memory_space<vmem>>
      %dma_wait3A_333 = tpu.memref_squeeze %dma_wait3A_332 : memref<1x128xi32, #tpu.memory_space<vmem>> -> memref<128xi32, #tpu.memory_space<vmem>>
      %dma_wait3A_334 = arith.constant 0 : i32
      %dma_wait3A_335 = tpu.memref_slice %arg4[%dma_wait3A_334] : memref<2600000xf32, #tpu.memory_space<hbm>> -> memref<2600000xf32, #tpu.memory_space<hbm>>
      tpu.wait_indirect_dma semaphore(%arg11 : memref<!tpu.dma_semaphore, #tpu.memory_space<semaphore_mem>>) src(%dma_wait3A_335 : memref<2600000xf32, #tpu.memory_space<hbm>>) dst(%dma_wait3A_330 : memref<128xf32, #tpu.memory_space<vmem>>)
      %dma_wait3A_336 = arith.constant 512 : i32
      %dma_wait3A_337 = arith.constant 0 : i32
      %dma_wait3A_338 = tpu.memref_slice %arg8[%dma_wait3A_336, %dma_wait3A_337] : memref<1664x16xf32, #tpu.memory_space<vmem>> -> memref<128x16xf32, #tpu.memory_space<vmem>>
      %dma_wait3A_339 = arith.constant 0 : i32
      %dma_wait3A_340 = tpu.memref_slice %arg7[%add3A_96, %dma_wait3A_339] : memref<104x128xi32, #tpu.memory_space<vmem>> -> memref<1x128xi32, #tpu.memory_space<vmem>>
      %dma_wait3A_341 = tpu.memref_squeeze %dma_wait3A_340 : memref<1x128xi32, #tpu.memory_space<vmem>> -> memref<128xi32, #tpu.memory_space<vmem>>
      %dma_wait3A_342 = arith.constant 0 : i32
      %dma_wait3A_343 = arith.constant 0 : i32
      %dma_wait3A_344 = tpu.memref_slice %arg3[%dma_wait3A_342, %dma_wait3A_343] : memref<2600000x16xf32, #tpu.memory_space<hbm>> -> memref<2600000x16xf32, #tpu.memory_space<hbm>>
      tpu.wait_indirect_dma semaphore(%arg10 : memref<!tpu.dma_semaphore, #tpu.memory_space<semaphore_mem>>) src(%dma_wait3A_344 : memref<2600000x16xf32, #tpu.memory_space<hbm>>) dst(%dma_wait3A_338 : memref<128x16xf32, #tpu.memory_space<vmem>>)
      %dma_wait3A_345 = arith.constant 512 : i32
      %dma_wait3A_346 = tpu.memref_slice %arg9[%dma_wait3A_345] : memref<1664xf32, #tpu.memory_space<vmem>> -> memref<128xf32, #tpu.memory_space<vmem>>
      %dma_wait3A_347 = arith.constant 0 : i32
      %dma_wait3A_348 = tpu.memref_slice %arg7[%add3A_96, %dma_wait3A_347] : memref<104x128xi32, #tpu.memory_space<vmem>> -> memref<1x128xi32, #tpu.memory_space<vmem>>
      %dma_wait3A_349 = tpu.memref_squeeze %dma_wait3A_348 : memref<1x128xi32, #tpu.memory_space<vmem>> -> memref<128xi32, #tpu.memory_space<vmem>>
      %dma_wait3A_350 = arith.constant 0 : i32
      %dma_wait3A_351 = tpu.memref_slice %arg4[%dma_wait3A_350] : memref<2600000xf32, #tpu.memory_space<hbm>> -> memref<2600000xf32, #tpu.memory_space<hbm>>
      tpu.wait_indirect_dma semaphore(%arg11 : memref<!tpu.dma_semaphore, #tpu.memory_space<semaphore_mem>>) src(%dma_wait3A_351 : memref<2600000xf32, #tpu.memory_space<hbm>>) dst(%dma_wait3A_346 : memref<128xf32, #tpu.memory_space<vmem>>)
      %dma_wait3A_352 = arith.constant 640 : i32
      %dma_wait3A_353 = arith.constant 0 : i32
      %dma_wait3A_354 = tpu.memref_slice %arg8[%dma_wait3A_352, %dma_wait3A_353] : memref<1664x16xf32, #tpu.memory_space<vmem>> -> memref<128x16xf32, #tpu.memory_space<vmem>>
      %dma_wait3A_355 = arith.constant 0 : i32
      %dma_wait3A_356 = tpu.memref_slice %arg7[%add3A_116, %dma_wait3A_355] : memref<104x128xi32, #tpu.memory_space<vmem>> -> memref<1x128xi32, #tpu.memory_space<vmem>>
      %dma_wait3A_357 = tpu.memref_squeeze %dma_wait3A_356 : memref<1x128xi32, #tpu.memory_space<vmem>> -> memref<128xi32, #tpu.memory_space<vmem>>
      %dma_wait3A_358 = arith.constant 0 : i32
      %dma_wait3A_359 = arith.constant 0 : i32
      %dma_wait3A_360 = tpu.memref_slice %arg3[%dma_wait3A_358, %dma_wait3A_359] : memref<2600000x16xf32, #tpu.memory_space<hbm>> -> memref<2600000x16xf32, #tpu.memory_space<hbm>>
      tpu.wait_indirect_dma semaphore(%arg10 : memref<!tpu.dma_semaphore, #tpu.memory_space<semaphore_mem>>) src(%dma_wait3A_360 : memref<2600000x16xf32, #tpu.memory_space<hbm>>) dst(%dma_wait3A_354 : memref<128x16xf32, #tpu.memory_space<vmem>>)
      %dma_wait3A_361 = arith.constant 640 : i32
      %dma_wait3A_362 = tpu.memref_slice %arg9[%dma_wait3A_361] : memref<1664xf32, #tpu.memory_space<vmem>> -> memref<128xf32, #tpu.memory_space<vmem>>
      %dma_wait3A_363 = arith.constant 0 : i32
      %dma_wait3A_364 = tpu.memref_slice %arg7[%add3A_116, %dma_wait3A_363] : memref<104x128xi32, #tpu.memory_space<vmem>> -> memref<1x128xi32, #tpu.memory_space<vmem>>
      %dma_wait3A_365 = tpu.memref_squeeze %dma_wait3A_364 : memref<1x128xi32, #tpu.memory_space<vmem>> -> memref<128xi32, #tpu.memory_space<vmem>>
      %dma_wait3A_366 = arith.constant 0 : i32
      %dma_wait3A_367 = tpu.memref_slice %arg4[%dma_wait3A_366] : memref<2600000xf32, #tpu.memory_space<hbm>> -> memref<2600000xf32, #tpu.memory_space<hbm>>
      tpu.wait_indirect_dma semaphore(%arg11 : memref<!tpu.dma_semaphore, #tpu.memory_space<semaphore_mem>>) src(%dma_wait3A_367 : memref<2600000xf32, #tpu.memory_space<hbm>>) dst(%dma_wait3A_362 : memref<128xf32, #tpu.memory_space<vmem>>)
      %dma_wait3A_368 = arith.constant 768 : i32
      %dma_wait3A_369 = arith.constant 0 : i32
      %dma_wait3A_370 = tpu.memref_slice %arg8[%dma_wait3A_368, %dma_wait3A_369] : memref<1664x16xf32, #tpu.memory_space<vmem>> -> memref<128x16xf32, #tpu.memory_space<vmem>>
      %dma_wait3A_371 = arith.constant 0 : i32
      %dma_wait3A_372 = tpu.memref_slice %arg7[%add3A_136, %dma_wait3A_371] : memref<104x128xi32, #tpu.memory_space<vmem>> -> memref<1x128xi32, #tpu.memory_space<vmem>>
      %dma_wait3A_373 = tpu.memref_squeeze %dma_wait3A_372 : memref<1x128xi32, #tpu.memory_space<vmem>> -> memref<128xi32, #tpu.memory_space<vmem>>
      %dma_wait3A_374 = arith.constant 0 : i32
      %dma_wait3A_375 = arith.constant 0 : i32
      %dma_wait3A_376 = tpu.memref_slice %arg3[%dma_wait3A_374, %dma_wait3A_375] : memref<2600000x16xf32, #tpu.memory_space<hbm>> -> memref<2600000x16xf32, #tpu.memory_space<hbm>>
      tpu.wait_indirect_dma semaphore(%arg10 : memref<!tpu.dma_semaphore, #tpu.memory_space<semaphore_mem>>) src(%dma_wait3A_376 : memref<2600000x16xf32, #tpu.memory_space<hbm>>) dst(%dma_wait3A_370 : memref<128x16xf32, #tpu.memory_space<vmem>>)
      %dma_wait3A_377 = arith.constant 768 : i32
      %dma_wait3A_378 = tpu.memref_slice %arg9[%dma_wait3A_377] : memref<1664xf32, #tpu.memory_space<vmem>> -> memref<128xf32, #tpu.memory_space<vmem>>
      %dma_wait3A_379 = arith.constant 0 : i32
      %dma_wait3A_380 = tpu.memref_slice %arg7[%add3A_136, %dma_wait3A_379] : memref<104x128xi32, #tpu.memory_space<vmem>> -> memref<1x128xi32, #tpu.memory_space<vmem>>
      %dma_wait3A_381 = tpu.memref_squeeze %dma_wait3A_380 : memref<1x128xi32, #tpu.memory_space<vmem>> -> memref<128xi32, #tpu.memory_space<vmem>>
      %dma_wait3A_382 = arith.constant 0 : i32
      %dma_wait3A_383 = tpu.memref_slice %arg4[%dma_wait3A_382] : memref<2600000xf32, #tpu.memory_space<hbm>> -> memref<2600000xf32, #tpu.memory_space<hbm>>
      tpu.wait_indirect_dma semaphore(%arg11 : memref<!tpu.dma_semaphore, #tpu.memory_space<semaphore_mem>>) src(%dma_wait3A_383 : memref<2600000xf32, #tpu.memory_space<hbm>>) dst(%dma_wait3A_378 : memref<128xf32, #tpu.memory_space<vmem>>)
      %dma_wait3A_384 = arith.constant 896 : i32
      %dma_wait3A_385 = arith.constant 0 : i32
      %dma_wait3A_386 = tpu.memref_slice %arg8[%dma_wait3A_384, %dma_wait3A_385] : memref<1664x16xf32, #tpu.memory_space<vmem>> -> memref<128x16xf32, #tpu.memory_space<vmem>>
      %dma_wait3A_387 = arith.constant 0 : i32
      %dma_wait3A_388 = tpu.memref_slice %arg7[%add3A_156, %dma_wait3A_387] : memref<104x128xi32, #tpu.memory_space<vmem>> -> memref<1x128xi32, #tpu.memory_space<vmem>>
      %dma_wait3A_389 = tpu.memref_squeeze %dma_wait3A_388 : memref<1x128xi32, #tpu.memory_space<vmem>> -> memref<128xi32, #tpu.memory_space<vmem>>
      %dma_wait3A_390 = arith.constant 0 : i32
      %dma_wait3A_391 = arith.constant 0 : i32
      %dma_wait3A_392 = tpu.memref_slice %arg3[%dma_wait3A_390, %dma_wait3A_391] : memref<2600000x16xf32, #tpu.memory_space<hbm>> -> memref<2600000x16xf32, #tpu.memory_space<hbm>>
      tpu.wait_indirect_dma semaphore(%arg10 : memref<!tpu.dma_semaphore, #tpu.memory_space<semaphore_mem>>) src(%dma_wait3A_392 : memref<2600000x16xf32, #tpu.memory_space<hbm>>) dst(%dma_wait3A_386 : memref<128x16xf32, #tpu.memory_space<vmem>>)
      %dma_wait3A_393 = arith.constant 896 : i32
      %dma_wait3A_394 = tpu.memref_slice %arg9[%dma_wait3A_393] : memref<1664xf32, #tpu.memory_space<vmem>> -> memref<128xf32, #tpu.memory_space<vmem>>
      %dma_wait3A_395 = arith.constant 0 : i32
      %dma_wait3A_396 = tpu.memref_slice %arg7[%add3A_156, %dma_wait3A_395] : memref<104x128xi32, #tpu.memory_space<vmem>> -> memref<1x128xi32, #tpu.memory_space<vmem>>
      %dma_wait3A_397 = tpu.memref_squeeze %dma_wait3A_396 : memref<1x128xi32, #tpu.memory_space<vmem>> -> memref<128xi32, #tpu.memory_space<vmem>>
      %dma_wait3A_398 = arith.constant 0 : i32
      %dma_wait3A_399 = tpu.memref_slice %arg4[%dma_wait3A_398] : memref<2600000xf32, #tpu.memory_space<hbm>> -> memref<2600000xf32, #tpu.memory_space<hbm>>
      tpu.wait_indirect_dma semaphore(%arg11 : memref<!tpu.dma_semaphore, #tpu.memory_space<semaphore_mem>>) src(%dma_wait3A_399 : memref<2600000xf32, #tpu.memory_space<hbm>>) dst(%dma_wait3A_394 : memref<128xf32, #tpu.memory_space<vmem>>)
      %dma_wait3A_400 = arith.constant 1024 : i32
      %dma_wait3A_401 = arith.constant 0 : i32
      %dma_wait3A_402 = tpu.memref_slice %arg8[%dma_wait3A_400, %dma_wait3A_401] : memref<1664x16xf32, #tpu.memory_space<vmem>> -> memref<128x16xf32, #tpu.memory_space<vmem>>
      %dma_wait3A_403 = arith.constant 0 : i32
      %dma_wait3A_404 = tpu.memref_slice %arg7[%add3A_176, %dma_wait3A_403] : memref<104x128xi32, #tpu.memory_space<vmem>> -> memref<1x128xi32, #tpu.memory_space<vmem>>
      %dma_wait3A_405 = tpu.memref_squeeze %dma_wait3A_404 : memref<1x128xi32, #tpu.memory_space<vmem>> -> memref<128xi32, #tpu.memory_space<vmem>>
      %dma_wait3A_406 = arith.constant 0 : i32
      %dma_wait3A_407 = arith.constant 0 : i32
      %dma_wait3A_408 = tpu.memref_slice %arg3[%dma_wait3A_406, %dma_wait3A_407] : memref<2600000x16xf32, #tpu.memory_space<hbm>> -> memref<2600000x16xf32, #tpu.memory_space<hbm>>
      tpu.wait_indirect_dma semaphore(%arg10 : memref<!tpu.dma_semaphore, #tpu.memory_space<semaphore_mem>>) src(%dma_wait3A_408 : memref<2600000x16xf32, #tpu.memory_space<hbm>>) dst(%dma_wait3A_402 : memref<128x16xf32, #tpu.memory_space<vmem>>)
      %dma_wait3A_409 = arith.constant 1024 : i32
      %dma_wait3A_410 = tpu.memref_slice %arg9[%dma_wait3A_409] : memref<1664xf32, #tpu.memory_space<vmem>> -> memref<128xf32, #tpu.memory_space<vmem>>
      %dma_wait3A_411 = arith.constant 0 : i32
      %dma_wait3A_412 = tpu.memref_slice %arg7[%add3A_176, %dma_wait3A_411] : memref<104x128xi32, #tpu.memory_space<vmem>> -> memref<1x128xi32, #tpu.memory_space<vmem>>
      %dma_wait3A_413 = tpu.memref_squeeze %dma_wait3A_412 : memref<1x128xi32, #tpu.memory_space<vmem>> -> memref<128xi32, #tpu.memory_space<vmem>>
      %dma_wait3A_414 = arith.constant 0 : i32
      %dma_wait3A_415 = tpu.memref_slice %arg4[%dma_wait3A_414] : memref<2600000xf32, #tpu.memory_space<hbm>> -> memref<2600000xf32, #tpu.memory_space<hbm>>
      tpu.wait_indirect_dma semaphore(%arg11 : memref<!tpu.dma_semaphore, #tpu.memory_space<semaphore_mem>>) src(%dma_wait3A_415 : memref<2600000xf32, #tpu.memory_space<hbm>>) dst(%dma_wait3A_410 : memref<128xf32, #tpu.memory_space<vmem>>)
      %dma_wait3A_416 = arith.constant 1152 : i32
      %dma_wait3A_417 = arith.constant 0 : i32
      %dma_wait3A_418 = tpu.memref_slice %arg8[%dma_wait3A_416, %dma_wait3A_417] : memref<1664x16xf32, #tpu.memory_space<vmem>> -> memref<128x16xf32, #tpu.memory_space<vmem>>
      %dma_wait3A_419 = arith.constant 0 : i32
      %dma_wait3A_420 = tpu.memref_slice %arg7[%add3A_196, %dma_wait3A_419] : memref<104x128xi32, #tpu.memory_space<vmem>> -> memref<1x128xi32, #tpu.memory_space<vmem>>
      %dma_wait3A_421 = tpu.memref_squeeze %dma_wait3A_420 : memref<1x128xi32, #tpu.memory_space<vmem>> -> memref<128xi32, #tpu.memory_space<vmem>>
      %dma_wait3A_422 = arith.constant 0 : i32
      %dma_wait3A_423 = arith.constant 0 : i32
      %dma_wait3A_424 = tpu.memref_slice %arg3[%dma_wait3A_422, %dma_wait3A_423] : memref<2600000x16xf32, #tpu.memory_space<hbm>> -> memref<2600000x16xf32, #tpu.memory_space<hbm>>
      tpu.wait_indirect_dma semaphore(%arg10 : memref<!tpu.dma_semaphore, #tpu.memory_space<semaphore_mem>>) src(%dma_wait3A_424 : memref<2600000x16xf32, #tpu.memory_space<hbm>>) dst(%dma_wait3A_418 : memref<128x16xf32, #tpu.memory_space<vmem>>)
      %dma_wait3A_425 = arith.constant 1152 : i32
      %dma_wait3A_426 = tpu.memref_slice %arg9[%dma_wait3A_425] : memref<1664xf32, #tpu.memory_space<vmem>> -> memref<128xf32, #tpu.memory_space<vmem>>
      %dma_wait3A_427 = arith.constant 0 : i32
      %dma_wait3A_428 = tpu.memref_slice %arg7[%add3A_196, %dma_wait3A_427] : memref<104x128xi32, #tpu.memory_space<vmem>> -> memref<1x128xi32, #tpu.memory_space<vmem>>
      %dma_wait3A_429 = tpu.memref_squeeze %dma_wait3A_428 : memref<1x128xi32, #tpu.memory_space<vmem>> -> memref<128xi32, #tpu.memory_space<vmem>>
      %dma_wait3A_430 = arith.constant 0 : i32
      %dma_wait3A_431 = tpu.memref_slice %arg4[%dma_wait3A_430] : memref<2600000xf32, #tpu.memory_space<hbm>> -> memref<2600000xf32, #tpu.memory_space<hbm>>
      tpu.wait_indirect_dma semaphore(%arg11 : memref<!tpu.dma_semaphore, #tpu.memory_space<semaphore_mem>>) src(%dma_wait3A_431 : memref<2600000xf32, #tpu.memory_space<hbm>>) dst(%dma_wait3A_426 : memref<128xf32, #tpu.memory_space<vmem>>)
      %dma_wait3A_432 = arith.constant 1280 : i32
      %dma_wait3A_433 = arith.constant 0 : i32
      %dma_wait3A_434 = tpu.memref_slice %arg8[%dma_wait3A_432, %dma_wait3A_433] : memref<1664x16xf32, #tpu.memory_space<vmem>> -> memref<128x16xf32, #tpu.memory_space<vmem>>
      %dma_wait3A_435 = arith.constant 0 : i32
      %dma_wait3A_436 = tpu.memref_slice %arg7[%add3A_216, %dma_wait3A_435] : memref<104x128xi32, #tpu.memory_space<vmem>> -> memref<1x128xi32, #tpu.memory_space<vmem>>
      %dma_wait3A_437 = tpu.memref_squeeze %dma_wait3A_436 : memref<1x128xi32, #tpu.memory_space<vmem>> -> memref<128xi32, #tpu.memory_space<vmem>>
      %dma_wait3A_438 = arith.constant 0 : i32
      %dma_wait3A_439 = arith.constant 0 : i32
      %dma_wait3A_440 = tpu.memref_slice %arg3[%dma_wait3A_438, %dma_wait3A_439] : memref<2600000x16xf32, #tpu.memory_space<hbm>> -> memref<2600000x16xf32, #tpu.memory_space<hbm>>
      tpu.wait_indirect_dma semaphore(%arg10 : memref<!tpu.dma_semaphore, #tpu.memory_space<semaphore_mem>>) src(%dma_wait3A_440 : memref<2600000x16xf32, #tpu.memory_space<hbm>>) dst(%dma_wait3A_434 : memref<128x16xf32, #tpu.memory_space<vmem>>)
      %dma_wait3A_441 = arith.constant 1280 : i32
      %dma_wait3A_442 = tpu.memref_slice %arg9[%dma_wait3A_441] : memref<1664xf32, #tpu.memory_space<vmem>> -> memref<128xf32, #tpu.memory_space<vmem>>
      %dma_wait3A_443 = arith.constant 0 : i32
      %dma_wait3A_444 = tpu.memref_slice %arg7[%add3A_216, %dma_wait3A_443] : memref<104x128xi32, #tpu.memory_space<vmem>> -> memref<1x128xi32, #tpu.memory_space<vmem>>
      %dma_wait3A_445 = tpu.memref_squeeze %dma_wait3A_444 : memref<1x128xi32, #tpu.memory_space<vmem>> -> memref<128xi32, #tpu.memory_space<vmem>>
      %dma_wait3A_446 = arith.constant 0 : i32
      %dma_wait3A_447 = tpu.memref_slice %arg4[%dma_wait3A_446] : memref<2600000xf32, #tpu.memory_space<hbm>> -> memref<2600000xf32, #tpu.memory_space<hbm>>
      tpu.wait_indirect_dma semaphore(%arg11 : memref<!tpu.dma_semaphore, #tpu.memory_space<semaphore_mem>>) src(%dma_wait3A_447 : memref<2600000xf32, #tpu.memory_space<hbm>>) dst(%dma_wait3A_442 : memref<128xf32, #tpu.memory_space<vmem>>)
      %dma_wait3A_448 = arith.constant 1408 : i32
      %dma_wait3A_449 = arith.constant 0 : i32
      %dma_wait3A_450 = tpu.memref_slice %arg8[%dma_wait3A_448, %dma_wait3A_449] : memref<1664x16xf32, #tpu.memory_space<vmem>> -> memref<128x16xf32, #tpu.memory_space<vmem>>
      %dma_wait3A_451 = arith.constant 0 : i32
      %dma_wait3A_452 = tpu.memref_slice %arg7[%add3A_236, %dma_wait3A_451] : memref<104x128xi32, #tpu.memory_space<vmem>> -> memref<1x128xi32, #tpu.memory_space<vmem>>
      %dma_wait3A_453 = tpu.memref_squeeze %dma_wait3A_452 : memref<1x128xi32, #tpu.memory_space<vmem>> -> memref<128xi32, #tpu.memory_space<vmem>>
      %dma_wait3A_454 = arith.constant 0 : i32
      %dma_wait3A_455 = arith.constant 0 : i32
      %dma_wait3A_456 = tpu.memref_slice %arg3[%dma_wait3A_454, %dma_wait3A_455] : memref<2600000x16xf32, #tpu.memory_space<hbm>> -> memref<2600000x16xf32, #tpu.memory_space<hbm>>
      tpu.wait_indirect_dma semaphore(%arg10 : memref<!tpu.dma_semaphore, #tpu.memory_space<semaphore_mem>>) src(%dma_wait3A_456 : memref<2600000x16xf32, #tpu.memory_space<hbm>>) dst(%dma_wait3A_450 : memref<128x16xf32, #tpu.memory_space<vmem>>)
      %dma_wait3A_457 = arith.constant 1408 : i32
      %dma_wait3A_458 = tpu.memref_slice %arg9[%dma_wait3A_457] : memref<1664xf32, #tpu.memory_space<vmem>> -> memref<128xf32, #tpu.memory_space<vmem>>
      %dma_wait3A_459 = arith.constant 0 : i32
      %dma_wait3A_460 = tpu.memref_slice %arg7[%add3A_236, %dma_wait3A_459] : memref<104x128xi32, #tpu.memory_space<vmem>> -> memref<1x128xi32, #tpu.memory_space<vmem>>
      %dma_wait3A_461 = tpu.memref_squeeze %dma_wait3A_460 : memref<1x128xi32, #tpu.memory_space<vmem>> -> memref<128xi32, #tpu.memory_space<vmem>>
      %dma_wait3A_462 = arith.constant 0 : i32
      %dma_wait3A_463 = tpu.memref_slice %arg4[%dma_wait3A_462] : memref<2600000xf32, #tpu.memory_space<hbm>> -> memref<2600000xf32, #tpu.memory_space<hbm>>
      tpu.wait_indirect_dma semaphore(%arg11 : memref<!tpu.dma_semaphore, #tpu.memory_space<semaphore_mem>>) src(%dma_wait3A_463 : memref<2600000xf32, #tpu.memory_space<hbm>>) dst(%dma_wait3A_458 : memref<128xf32, #tpu.memory_space<vmem>>)
      %dma_wait3A_464 = arith.constant 1536 : i32
      %dma_wait3A_465 = arith.constant 0 : i32
      %dma_wait3A_466 = tpu.memref_slice %arg8[%dma_wait3A_464, %dma_wait3A_465] : memref<1664x16xf32, #tpu.memory_space<vmem>> -> memref<128x16xf32, #tpu.memory_space<vmem>>
      %dma_wait3A_467 = arith.constant 0 : i32
      %dma_wait3A_468 = tpu.memref_slice %arg7[%add3A_256, %dma_wait3A_467] : memref<104x128xi32, #tpu.memory_space<vmem>> -> memref<1x128xi32, #tpu.memory_space<vmem>>
      %dma_wait3A_469 = tpu.memref_squeeze %dma_wait3A_468 : memref<1x128xi32, #tpu.memory_space<vmem>> -> memref<128xi32, #tpu.memory_space<vmem>>
      %dma_wait3A_470 = arith.constant 0 : i32
      %dma_wait3A_471 = arith.constant 0 : i32
      %dma_wait3A_472 = tpu.memref_slice %arg3[%dma_wait3A_470, %dma_wait3A_471] : memref<2600000x16xf32, #tpu.memory_space<hbm>> -> memref<2600000x16xf32, #tpu.memory_space<hbm>>
      tpu.wait_indirect_dma semaphore(%arg10 : memref<!tpu.dma_semaphore, #tpu.memory_space<semaphore_mem>>) src(%dma_wait3A_472 : memref<2600000x16xf32, #tpu.memory_space<hbm>>) dst(%dma_wait3A_466 : memref<128x16xf32, #tpu.memory_space<vmem>>)
      %dma_wait3A_473 = arith.constant 1536 : i32
      %dma_wait3A_474 = tpu.memref_slice %arg9[%dma_wait3A_473] : memref<1664xf32, #tpu.memory_space<vmem>> -> memref<128xf32, #tpu.memory_space<vmem>>
      %dma_wait3A_475 = arith.constant 0 : i32
      %dma_wait3A_476 = tpu.memref_slice %arg7[%add3A_256, %dma_wait3A_475] : memref<104x128xi32, #tpu.memory_space<vmem>> -> memref<1x128xi32, #tpu.memory_space<vmem>>
      %dma_wait3A_477 = tpu.memref_squeeze %dma_wait3A_476 : memref<1x128xi32, #tpu.memory_space<vmem>> -> memref<128xi32, #tpu.memory_space<vmem>>
      %dma_wait3A_478 = arith.constant 0 : i32
      %dma_wait3A_479 = tpu.memref_slice %arg4[%dma_wait3A_478] : memref<2600000xf32, #tpu.memory_space<hbm>> -> memref<2600000xf32, #tpu.memory_space<hbm>>
      tpu.wait_indirect_dma semaphore(%arg11 : memref<!tpu.dma_semaphore, #tpu.memory_space<semaphore_mem>>) src(%dma_wait3A_479 : memref<2600000xf32, #tpu.memory_space<hbm>>) dst(%dma_wait3A_474 : memref<128xf32, #tpu.memory_space<vmem>>)
      "tpu.region"() ({
        %run_scoped3A = tpu.sem_alloc : memref<!tpu.dma_semaphore, #tpu.memory_space<semaphore_mem>>
        %dma_start3A_480 = arith.constant 0 : i32
        %dma_start3A_481 = tpu.memref_slice %arg5[%add3A_13, %dma_start3A_480] : memref<425984x16xf32, #tpu.memory_space<hbm>> -> memref<1664x16xf32, #tpu.memory_space<hbm>>
        %dma_start3A_482 = arith.constant 0 : i32
        %dma_start3A_483 = tpu.memref_slice %arg5[%add3A_13, %dma_start3A_482] : memref<425984x16xf32, #tpu.memory_space<hbm>> -> memref<1664x16xf32, #tpu.memory_space<hbm>>
        tpu.enqueue_dma source(%arg8 : memref<1664x16xf32, #tpu.memory_space<vmem>>) target(%dma_start3A_483 : memref<1664x16xf32, #tpu.memory_space<hbm>>) target_semaphore(%run_scoped3A : memref<!tpu.dma_semaphore, #tpu.memory_space<semaphore_mem>>)
        %dma_wait3A_484 = arith.constant 0 : i32
        %dma_wait3A_485 = tpu.memref_slice %arg5[%add3A_13, %dma_wait3A_484] : memref<425984x16xf32, #tpu.memory_space<hbm>> -> memref<1664x16xf32, #tpu.memory_space<hbm>>
        %dma_wait3A_486 = arith.constant 0 : i32
        %dma_wait3A_487 = tpu.memref_slice %arg5[%add3A_13, %dma_wait3A_486] : memref<425984x16xf32, #tpu.memory_space<hbm>> -> memref<1664x16xf32, #tpu.memory_space<hbm>>
        tpu.wait_dma2 semaphore(%run_scoped3A : memref<!tpu.dma_semaphore, #tpu.memory_space<semaphore_mem>>) src(%arg8 : memref<1664x16xf32, #tpu.memory_space<vmem>>) dst(%dma_wait3A_487 : memref<1664x16xf32, #tpu.memory_space<hbm>>)
        tpu.yield
      }) : () -> ()
      "tpu.region"() ({
        %run_scoped3A = tpu.sem_alloc : memref<!tpu.dma_semaphore, #tpu.memory_space<semaphore_mem>>
        %dma_start3A_480 = tpu.memref_slice %arg6[%add3A_13] : memref<425984xf32, #tpu.memory_space<hbm>> -> memref<1664xf32, #tpu.memory_space<hbm>>
        %dma_start3A_481 = tpu.memref_slice %arg6[%add3A_13] : memref<425984xf32, #tpu.memory_space<hbm>> -> memref<1664xf32, #tpu.memory_space<hbm>>
        tpu.enqueue_dma source(%arg9 : memref<1664xf32, #tpu.memory_space<vmem>>) target(%dma_start3A_481 : memref<1664xf32, #tpu.memory_space<hbm>>) target_semaphore(%run_scoped3A : memref<!tpu.dma_semaphore, #tpu.memory_space<semaphore_mem>>)
        %dma_wait3A_482 = tpu.memref_slice %arg6[%add3A_13] : memref<425984xf32, #tpu.memory_space<hbm>> -> memref<1664xf32, #tpu.memory_space<hbm>>
        %dma_wait3A_483 = tpu.memref_slice %arg6[%add3A_13] : memref<425984xf32, #tpu.memory_space<hbm>> -> memref<1664xf32, #tpu.memory_space<hbm>>
        tpu.wait_dma2 semaphore(%run_scoped3A : memref<!tpu.dma_semaphore, #tpu.memory_space<semaphore_mem>>) src(%arg9 : memref<1664xf32, #tpu.memory_space<vmem>>) dst(%dma_wait3A_483 : memref<1664xf32, #tpu.memory_space<hbm>>)
        tpu.yield
      }) : () -> ()
    }
    %scan3A_7 = arith.constant 8 : i32
    return
  }
}

module attributes {stable_mosaic.version = 14 : i64} {
  func.func @_tc_body(%arg0: i32, %arg1: memref<512x416xf32, #tpu.memory_space<vmem>>, %arg2: memref<512x26xf32, #tpu.memory_space<vmem>>, %arg3: memref<512x16xf32, #tpu.memory_space<vmem>>, %arg4: memref<416x256xf32, #tpu.memory_space<vmem>>, %arg5: memref<16x128xf32, #tpu.memory_space<vmem>>, %arg6: memref<1x128xf32, #tpu.memory_space<vmem>>, %arg7: memref<128x128xf32, #tpu.memory_space<vmem>>, %arg8: memref<1x128xf32, #tpu.memory_space<vmem>>, %arg9: memref<1x128xf32, #tpu.memory_space<vmem>>, %arg10: memref<1x16xf32, #tpu.memory_space<vmem>>, %arg11: memref<1x1xf32, #tpu.memory_space<smem>>, %arg12: memref<512xf32, #tpu.memory_space<vmem>>) attributes {dimension_semantics = [#tpu.dimension_semantics<arbitrary>], iteration_bounds = array<i64: 32>, scalar_prefetch = 0 : i64, scratch_operands = 0 : i64, tpu.core_type = #tpu.core_type<tc>, window_params = [{transform_indices = @transform_0, window_bounds = array<i64: 512, 416>}, {transform_indices = @transform_1, window_bounds = array<i64: 512, 26>}, {transform_indices = @transform_2, window_bounds = array<i64: 512, 16>}, {pipeline_mode = #tpu.pipeline_mode<synchronous>, transform_indices = @transform_3, window_bounds = array<i64: 416, 256>}, {pipeline_mode = #tpu.pipeline_mode<synchronous>, transform_indices = @transform_4, window_bounds = array<i64: 16, 128>}, {pipeline_mode = #tpu.pipeline_mode<synchronous>, transform_indices = @transform_5, window_bounds = array<i64: 1, 128>}, {pipeline_mode = #tpu.pipeline_mode<synchronous>, transform_indices = @transform_6, window_bounds = array<i64: 128, 128>}, {pipeline_mode = #tpu.pipeline_mode<synchronous>, transform_indices = @transform_7, window_bounds = array<i64: 1, 128>}, {pipeline_mode = #tpu.pipeline_mode<synchronous>, transform_indices = @transform_8, window_bounds = array<i64: 1, 128>}, {pipeline_mode = #tpu.pipeline_mode<synchronous>, transform_indices = @transform_9, window_bounds = array<i64: 1, 16>}, {transform_indices = @transform_10, window_bounds = array<i64: 1, 1>}, {transform_indices = @transform_11, window_bounds = array<i64: 512>}]} {
    %get3A = arith.constant 0 : index
    %get3A_0 = arith.constant 0 : index
    %get3A_1 = vector.load %arg1[%get3A, %get3A_0] : memref<512x416xf32, #tpu.memory_space<vmem>>, vector<512x416xf32>
    %get3A_2 = arith.constant 0 : index
    %get3A_3 = arith.constant 0 : index
    %get3A_4 = vector.load %arg3[%get3A_2, %get3A_3] : memref<512x16xf32, #tpu.memory_space<vmem>>, vector<512x16xf32>
    %get3A_5 = arith.constant 0 : index
    %get3A_6 = arith.constant 0 : index
    %get3A_7 = vector.load %arg4[%get3A_5, %get3A_6] : memref<416x256xf32, #tpu.memory_space<vmem>>, vector<416x256xf32>
    %dot_general3A = arith.constant dense<0.000000e+00> : vector<512x256xf32>
    %dot_general3A_8 = tpu.matmul %get3A_1, %get3A_7, %dot_general3A {dimension_numbers = #tpu.dot_dimension_numbers<[1], [0], [0], [1], [0, 0, 1, 1], [], []>, transpose_lhs_hint = false} : vector<512x416xf32>, vector<416x256xf32>, vector<512x256xf32> -> vector<512x256xf32>
    %slice3A = vector.extract_strided_slice %dot_general3A_8 {offsets = [0, 0], sizes = [512, 128], strides = [1, 1]} : vector<512x256xf32> to vector<512x128xf32>
    %get3A_9 = arith.constant 0 : index
    %get3A_10 = arith.constant 0 : index
    %get3A_11 = vector.load %arg5[%get3A_9, %get3A_10] : memref<16x128xf32, #tpu.memory_space<vmem>>, vector<16x128xf32>
    %dot_general3A_12 = arith.constant dense<0.000000e+00> : vector<512x128xf32>
    %dot_general3A_13 = tpu.matmul %get3A_4, %get3A_11, %dot_general3A_12 {dimension_numbers = #tpu.dot_dimension_numbers<[1], [0], [0], [1], [0, 0, 1, 1], [], []>, transpose_lhs_hint = false} : vector<512x16xf32>, vector<16x128xf32>, vector<512x128xf32> -> vector<512x128xf32>
    %add3A = arith.addf %slice3A, %dot_general3A_13 : vector<512x128xf32>
    %get3A_14 = arith.constant 0 : index
    %get3A_15 = arith.constant 0 : index
    %get3A_16 = vector.load %arg6[%get3A_14, %get3A_15] : memref<1x128xf32, #tpu.memory_space<vmem>>, vector<1x128xf32>
    %add3A_17 = vector.broadcast %get3A_16 : vector<1x128xf32> to vector<512x128xf32>
    %add3A_18 = arith.addf %add3A, %add3A_17 : vector<512x128xf32>
    %max3A = arith.constant 0.000000e+00 : f32
    %max3A_19 = vector.broadcast %max3A : f32 to vector<512x128xf32>
    %max3A_20 = arith.maximumf %add3A_18, %max3A_19 : vector<512x128xf32>
    %get3A_21 = arith.constant 0 : index
    %get3A_22 = arith.constant 0 : index
    %get3A_23 = vector.load %arg7[%get3A_21, %get3A_22] : memref<128x128xf32, #tpu.memory_space<vmem>>, vector<128x128xf32>
    %dot_general3A_24 = arith.constant dense<0.000000e+00> : vector<512x128xf32>
    %dot_general3A_25 = tpu.matmul %max3A_20, %get3A_23, %dot_general3A_24 {dimension_numbers = #tpu.dot_dimension_numbers<[1], [0], [0], [1], [0, 0, 1, 1], [], []>, transpose_lhs_hint = false} : vector<512x128xf32>, vector<128x128xf32>, vector<512x128xf32> -> vector<512x128xf32>
    %get3A_26 = arith.constant 0 : index
    %get3A_27 = arith.constant 0 : index
    %get3A_28 = vector.load %arg8[%get3A_26, %get3A_27] : memref<1x128xf32, #tpu.memory_space<vmem>>, vector<1x128xf32>
    %add3A_29 = vector.broadcast %get3A_28 : vector<1x128xf32> to vector<512x128xf32>
    %add3A_30 = arith.addf %dot_general3A_25, %add3A_29 : vector<512x128xf32>
    %max3A_31 = arith.constant 0.000000e+00 : f32
    %max3A_32 = vector.broadcast %max3A_31 : f32 to vector<512x128xf32>
    %max3A_33 = arith.maximumf %add3A_30, %max3A_32 : vector<512x128xf32>
    %get3A_34 = arith.constant 0 : index
    %get3A_35 = arith.constant 0 : index
    %get3A_36 = vector.load %arg9[%get3A_34, %get3A_35] : memref<1x128xf32, #tpu.memory_space<vmem>>, vector<1x128xf32>
    %mul3A = vector.broadcast %get3A_36 : vector<1x128xf32> to vector<512x128xf32>
    %mul3A_37 = arith.mulf %max3A_33, %mul3A : vector<512x128xf32>
    %reduce_sum3A = arith.constant dense<0.000000e+00> : vector<512xf32>
    %reduce_sum3A_38 = vector.multi_reduction <add>, %mul3A_37, %reduce_sum3A [1] : vector<512x128xf32> to vector<512xf32>
    %slice3A_39 = vector.extract_strided_slice %dot_general3A_8 {offsets = [0, 128], sizes = [512, 16], strides = [1, 1]} : vector<512x256xf32> to vector<512x16xf32>
    %mul3A_40 = arith.mulf %slice3A_39, %slice3A_39 : vector<512x16xf32>
    %reduce_sum3A_41 = arith.constant dense<0.000000e+00> : vector<512xf32>
    %reduce_sum3A_42 = vector.multi_reduction <add>, %mul3A_40, %reduce_sum3A_41 [1] : vector<512x16xf32> to vector<512xf32>
    %mul3A_43 = arith.mulf %get3A_1, %get3A_1 : vector<512x416xf32>
    %reduce_sum3A_44 = arith.constant dense<0.000000e+00> : vector<512xf32>
    %reduce_sum3A_45 = vector.multi_reduction <add>, %mul3A_43, %reduce_sum3A_44 [1] : vector<512x416xf32> to vector<512xf32>
    %sub3A = arith.subf %reduce_sum3A_42, %reduce_sum3A_45 : vector<512xf32>
    %mul3A_46 = arith.constant 5.000000e-01 : f32
    %mul3A_47 = vector.broadcast %mul3A_46 : f32 to vector<512xf32>
    %mul3A_48 = arith.mulf %mul3A_47, %sub3A : vector<512xf32>
    %get3A_49 = arith.constant 0 : index
    %get3A_50 = arith.constant 0 : index
    %get3A_51 = vector.load %arg2[%get3A_49, %get3A_50] : memref<512x26xf32, #tpu.memory_space<vmem>>, vector<512x26xf32>
    %reduce_sum3A_52 = arith.constant dense<0.000000e+00> : vector<512xf32>
    %reduce_sum3A_53 = vector.multi_reduction <add>, %get3A_51, %reduce_sum3A_52 [1] : vector<512x26xf32> to vector<512xf32>
    %get3A_54 = arith.constant 0 : index
    %get3A_55 = arith.constant 0 : index
    %get3A_56 = vector.load %arg10[%get3A_54, %get3A_55] : memref<1x16xf32, #tpu.memory_space<vmem>>, vector<1x16xf32>
    %mul3A_57 = vector.broadcast %get3A_56 : vector<1x16xf32> to vector<512x16xf32>
    %mul3A_58 = arith.mulf %get3A_4, %mul3A_57 : vector<512x16xf32>
    %reduce_sum3A_59 = arith.constant dense<0.000000e+00> : vector<512xf32>
    %reduce_sum3A_60 = vector.multi_reduction <add>, %mul3A_58, %reduce_sum3A_59 [1] : vector<512x16xf32> to vector<512xf32>
    %add3A_61 = arith.addf %reduce_sum3A_53, %reduce_sum3A_60 : vector<512xf32>
    %add3A_62 = arith.addf %add3A_61, %mul3A_48 : vector<512xf32>
    %add3A_63 = arith.addf %add3A_62, %reduce_sum3A_38 : vector<512xf32>
    %get3A_64 = arith.constant 0 : index
    %get3A_65 = arith.constant 0 : index
    %get3A_66 = memref.load %arg11[%get3A_64, %get3A_65] : memref<1x1xf32, #tpu.memory_space<smem>>
    %add3A_67 = vector.broadcast %get3A_66 : f32 to vector<512xf32>
    %add3A_68 = arith.addf %add3A_63, %add3A_67 : vector<512xf32>
    %swap3A = arith.constant 0 : index
    %swap3A_69 = vector.load %arg12[%swap3A] : memref<512xf32, #tpu.memory_space<vmem>>, vector<512xf32>
    tpu.vector_store %arg12[%swap3A], %add3A_68 {strides = array<i32>} : memref<512xf32, #tpu.memory_space<vmem>>, vector<512xf32>,
    return
  }
  func.func @transform_0(%arg0: i32) -> (i32, i32) {
    %c0_i32 = arith.constant 0 : i32
    %c0_i32_0 = arith.constant 0 : i32
    return %arg0, %c0_i32 : i32, i32
  }
  func.func @transform_1(%arg0: i32) -> (i32, i32) {
    %c0_i32 = arith.constant 0 : i32
    %c0_i32_0 = arith.constant 0 : i32
    return %arg0, %c0_i32 : i32, i32
  }
  func.func @transform_2(%arg0: i32) -> (i32, i32) {
    %c0_i32 = arith.constant 0 : i32
    %c0_i32_0 = arith.constant 0 : i32
    return %arg0, %c0_i32 : i32, i32
  }
  func.func @transform_3(%arg0: i32) -> (i32, i32) {
    %c0_i32 = arith.constant 0 : i32
    %c0_i32_0 = arith.constant 0 : i32
    %c0_i32_1 = arith.constant 0 : i32
    return %c0_i32, %c0_i32_0 : i32, i32
  }
  func.func @transform_4(%arg0: i32) -> (i32, i32) {
    %c0_i32 = arith.constant 0 : i32
    %c0_i32_0 = arith.constant 0 : i32
    %c0_i32_1 = arith.constant 0 : i32
    return %c0_i32, %c0_i32_0 : i32, i32
  }
  func.func @transform_5(%arg0: i32) -> (i32, i32) {
    %c0_i32 = arith.constant 0 : i32
    %c0_i32_0 = arith.constant 0 : i32
    %c0_i32_1 = arith.constant 0 : i32
    return %c0_i32, %c0_i32_0 : i32, i32
  }
  func.func @transform_6(%arg0: i32) -> (i32, i32) {
    %c0_i32 = arith.constant 0 : i32
    %c0_i32_0 = arith.constant 0 : i32
    %c0_i32_1 = arith.constant 0 : i32
    return %c0_i32, %c0_i32_0 : i32, i32
  }
  func.func @transform_7(%arg0: i32) -> (i32, i32) {
    %c0_i32 = arith.constant 0 : i32
    %c0_i32_0 = arith.constant 0 : i32
    %c0_i32_1 = arith.constant 0 : i32
    return %c0_i32, %c0_i32_0 : i32, i32
  }
  func.func @transform_8(%arg0: i32) -> (i32, i32) {
    %c0_i32 = arith.constant 0 : i32
    %c0_i32_0 = arith.constant 0 : i32
    %c0_i32_1 = arith.constant 0 : i32
    return %c0_i32, %c0_i32_0 : i32, i32
  }
  func.func @transform_9(%arg0: i32) -> (i32, i32) {
    %c0_i32 = arith.constant 0 : i32
    %c0_i32_0 = arith.constant 0 : i32
    %c0_i32_1 = arith.constant 0 : i32
    return %c0_i32, %c0_i32_0 : i32, i32
  }
  func.func @transform_10(%arg0: i32) -> (i32, i32) {
    %c0_i32 = arith.constant 0 : i32
    %c0_i32_0 = arith.constant 0 : i32
    %c0_i32_1 = arith.constant 0 : i32
    return %c0_i32, %c0_i32_0 : i32, i32
  }
  func.func @transform_11(%arg0: i32) -> i32 {
    %c0_i32 = arith.constant 0 : i32
    return %arg0 : i32
  }
}

</mosaic_0001>

<sc_bundles>
// kernel: kernel.4.cloned.1.call-start
scs
__scs_entry_jumppad:
0x0: {  	(pc) =	sbr.rel $0x88, $3  }
0x1: {  	(tag) =	ssettag $0x0;
	lr =	simm.s32 $0x1  }
0x2: {  	[smem:$0x3F8F] =	sst lr;
	_ =	strace $0xD0000000  }
0x3: {  	_ = 	snop  }
0x4: {  	_ = 	snop  }
0x5: {  	_ = 	snop  }
0x6: {  	_ = 	snop  }
0x7: {  	_ = 	snop  }
__scs_overlays_trampoline_lowered:
0x8: {  	[smem:$0x3F9E] =	sst s0  }
0x9: {  	[smem:$0x3F9F] =	sst s1  }
0xa: {  	[smem:$0x3FA0] =	sst s2  }
0xb: {  	[smem:$0x3FA1] =	sst s3  }
0xc: {  	[smem:$0x3FA2] =	sst s4  }
0xd: {  	[smem:$0x3FA3] =	sst s5  }
0xe: {  	[smem:$0x3FA4] =	sst s6  }
0xf: {  	[smem:$0x3FA5] =	sst s7  }
0x10: {  	[smem:$0x3FA6] =	sst s8  }
0x11: {  	[smem:$0x3FA7] =	sst s9;
	s0 =	simm.s32 @!p0 $0x0  }
0x12: {  	s1 =	sld [smem:$0x3F8D];
	s0 =	simm.s32 @p0 $0x1  }
0x13: {  	[smem:$0x3FA8] =	sst s0;
	s0 =	simm.s32 @!p1 $0x0  }
0x14: {  	s2 =	sld [smem:$0x3F8C];
	s0 =	simm.s32 @p1 $0x1  }
0x15: {  	[smem:$0x3FA9] =	sst s0;
	s0 =	simm.s32 @!p2 $0x0  }
0x16: {  	s3 =	sld [smem:$0x3FDB];
	s0 =	simm.s32 @p2 $0x1  }
0x17: {  	s4 =	simm.s32 $0x1BF5;
	[smem:$0x3FAB] =	sst s0  }
0x18: {  	s0 =	sld [smem:$0x3F8E];
	_ =	swait.ge [sflag:s4], $0x0  }
0x19: {  	s7 =	sld [smem:$0x3F8F]  }
0x1a: {  	s8 =	sadd.s32 $0xFFFFE003, lr  }
0x1b: {  	s9 =	sadd.s32 $0xFFFFFEF7, lr;
	s5 =	simm.s32 $0xFFFFFFFF;
	p2 =	slt.u32 s8, $0xFFFFF086  }
0x1c: {  	p1 =	slt.u32 s9, $0xF7A;
	s5 =	simm.s32 @!p2 $0x0  }
0x1d: {  	s5 =	simm.s32 @p1 $0x1;
	p0 =	seq.s32 s7, s2  }
0x1e: {  	s7 =	smul.u32 @!p0 $0xF7A, s2;
	p2 =	seq.s32 @!p0 s5, $0x0  }
0x1f: {  	s9 =	smul.u32 $0xF7A, s1;
	s8 =	simm.s32 @!p0 $0x1BF5;
	p2 =	por !p2, p0  }
0x20: {  	[sflag:s8] =	ssyncset.s32 @!p0 $0xFFFFF086;
	s6 =	sadd.s32 @!p0 s3, s7;
	s7 =	simm.s32 @!p0 $0x108  }
0x21: {  	s3 =	sadd.s32 s3, s9;
	s6 =	sadd.s32 @!p0 $0x88, s6;
	s7 =	simm.s32 @p2 $0x1082  }
0x22: {  	[simem:s7], [sflag:s8] =	dma.local @!p0 [hbm:s6], $0xF7A  }
0x23: {  	s9 =	sor.u32 $0xD0000000, s2;
	s6 =	simm.s32 $0x108;
	_ =	swait.ge @!p0 [sflag:s8], $0x0  }
0x24: {  	s3 =	sadd.s32 $0x88, s3;
	s6 =	simm.s32 @!p1 $0x1082;
	[sflag:s4] =	ssyncset.s32 $0xFFFFF086  }
0x25: {  	[simem:s6], [sflag:s4] =	dma.local [hbm:s3], $0xF7A  }
0x26: {  	[smem:$0x3F8F] =	sst s1;
	(tag) =	ssettag s2;
	_ =	strace s9  }
0x27: {  	s1 =	sld [smem:$0x3F9F]  }
0x28: {  	s2 =	sld [smem:$0x3FA0]  }
0x29: {  	s4 =	sld [smem:$0x3FA2]  }
0x2a: {  	p0 =	seq.s32 s5, $0x0;
	s5 =	sld [smem:$0x3FA3]  }
0x2b: {  	s6 =	sld [smem:$0x3FA4]  }
0x2c: {  	s7 =	sld [smem:$0x3FA5]  }
0x2d: {  	s3 =	simm.s32 $0x108;
	s8 =	sld [smem:$0x3FA6]  }
0x2e: {  	s3 =	simm.s32 @!p0 $0x1082;
	s9 =	sld [smem:$0x3FA7]  }
0x2f: {  	lr =	sadd.s32 s0, s3;
	s0 =	sld [smem:$0x3F9E]  }
0x30: {  	s3 =	sld [smem:$0x3FA1]  }
0x31: {  	[smem:$0x3FAA] =	sst s10  }
0x32: {  	s10 =	sld [smem:$0x3FA8];
	_ =	sdelay $0x3  }
0x33: {  	p0 =	seq.s32 s10, $0x1;
	s10 =	sld [smem:$0x3FAA];
	_ =	sdelay $0x3  }
0x34: {  	[smem:$0x3FAA] =	sst s10  }
0x35: {  	s10 =	sld [smem:$0x3FA9];
	_ =	sdelay $0x3  }
0x36: {  	p1 =	seq.s32 s10, $0x1;
	s10 =	sld [smem:$0x3FAA];
	_ =	sdelay $0x3  }
0x37: {  	[smem:$0x3FAA] =	sst s10  }
0x38: {  	s10 =	sld [smem:$0x3FAB]  }
0x39: {  	_ = 	snop;
	(pc) =	sbr.ind lr, $3  }
0x3a: {  	_ = 	snop  }
0x3b: {  	_ = 	snop  }
0x3c: {  	p2 =	seq.s32 s10, $0x1;
	s10 =	sld [smem:$0x3FAA]  }
0x3d: {  	_ =	shalt  }
0x3e: {  	_ =	shalt  }
0x3f: {  	_ =	shalt  }
0x40: {  	_ =	shalt  }
0x41: {  	_ =	shalt  }
0x42: {  	_ =	shalt  }
0x43: {  	_ =	shalt  }
0x44: {  	_ =	shalt  }
0x45: {  	_ =	shalt  }
0x46: {  	_ =	shalt  }
0x47: {  	_ =	shalt  }
0x48: {  	_ =	shalt  }
0x49: {  	_ =	shalt  }
0x4a: {  	_ =	shalt  }
0x4b: {  	_ =	shalt  }
0x4c: {  	_ =	shalt  }
0x4d: {  	_ =	shalt  }
0x4e: {  	_ =	shalt  }
0x4f: {  	_ =	shalt  }
0x50: {  	_ =	shalt  }
0x51: {  	_ =	shalt  }
0x52: {  	_ =	shalt  }
0x53: {  	_ =	shalt  }
0x54: {  	_ =	shalt  }
0x55: {  	_ =	shalt  }
0x56: {  	_ =	shalt  }
0x57: {  	_ =	shalt  }
0x58: {  	_ =	shalt  }
0x59: {  	_ =	shalt  }
0x5a: {  	_ =	shalt  }
0x5b: {  	_ =	shalt  }
0x5c: {  	_ =	shalt  }
0x5d: {  	_ =	shalt  }
0x5e: {  	_ =	shalt  }
0x5f: {  	_ =	shalt  }
0x60: {  	_ =	shalt  }
0x61: {  	_ =	shalt  }
0x62: {  	_ =	shalt  }
0x63: {  	_ =	shalt  }
0x64: {  	_ =	shalt  }
0x65: {  	_ =	shalt  }
0x66: {  	_ =	shalt  }
0x67: {  	_ =	shalt  }
0x68: {  	_ =	shalt  }
0x69: {  	_ =	shalt  }
0x6a: {  	_ =	shalt  }
0x6b: {  	_ =	shalt  }
0x6c: {  	_ =	shalt  }
0x6d: {  	_ =	shalt  }
0x6e: {  	_ =	shalt  }
0x6f: {  	_ =	shalt  }
0x70: {  	_ =	shalt  }
0x71: {  	_ =	shalt  }
0x72: {  	_ =	shalt  }
0x73: {  	_ =	shalt  }
0x74: {  	_ =	shalt  }
0x75: {  	_ =	shalt  }
0x76: {  	_ =	shalt  }
0x77: {  	_ =	shalt  }
0x78: {  	_ =	shalt  }
0x79: {  	_ =	shalt  }
0x7a: {  	_ =	shalt  }
0x7b: {  	_ =	shalt  }
0x7c: {  	_ =	shalt  }
0x7d: {  	_ =	shalt  }
0x7e: {  	_ =	shalt  }
0x7f: {  	_ =	shalt  }
0x80: {  	_ =	shalt  }
0x81: {  	_ =	shalt  }
0x82: {  	_ =	shalt  }
0x83: {  	_ =	shalt  }
0x84: {  	_ =	shalt  }
0x85: {  	_ =	shalt  }
0x86: {  	_ =	shalt  }
0x87: {  	_ =	shalt  }
.Lfunc_end0:
.L_simem_size_0:
called_computation_lowered:
.L_overlay_start_0:
0x88: {  	s2 =	sld [smem:$0x3FD9]  }
0x89: {  	s3 =	sld [smem:$0x3FFE];
	_ =	sdelay $0x1  }
0x8a: {  	s1 =	srdreg.scid  }
0x8b: {  	s0 =	sand.u32 $0x1, s1  }
0x8c: {  	s16 =	sshll.u32 s0, $0xA;
	s2 =	sadd.s32 s3, s2  }
0x8d: {  	s2 =	sadd.s32 s2, s16  }
0x8e: {  	[smem:$0x3FB6] =	sst s2  }
0x8f: {  	_ = 	snop  }
0x90: {  	(tm) =	ssettm $0x1  }
0x91: {  	s17 =	sld [smem:$0x3FFB];
	_ =	sdelay $0x3  }
0x92: {  	_ =	strace s17  }
0x93: {  	s2 =	sld [smem:$0x3FFC];
	_ =	sdelay $0x3  }
0x94: {  	_ =	strace s2  }
0x95: {  	s2 =	sld [smem:$0x3FFD];
	_ =	sdelay $0x3  }
0x96: {  	_ =	strace s2  }
0x97: {  	_ =	strace $0x8FFFFFFF  }
0x98: {  	s18 =	sld [smem:$0x3FDB];
	_ =	sdelay $0x1  }
0x99: {  	s19 =	simm.s32 $_scs_section_size  }
0x9a: {  	s4 =	simm.s32 $_size__tile_overlayer_lowered;
	s5 =	simm.s32 $_tile_overlayer_lowered  }
0x9b: {  	s22 =	simm.s32 $0x1BFF;
	s21 =	sshll.u32 s5, $0x1;
	s2 =	sadd.s32 s19, s18  }
0x9c: {  	s6 =	simm.s32 $0x0;
	s20 =	sshll.u32 s4, $0x1;
	s4 =	sadd.s32 s21, s2  }
0x9d: {  	[timem:s6], [sflag:s22] =	dma.local [hbm:s4], s20  }
0x9e: {  	_ =	swait.ge [sflag:s22], s20  }
0x9f: {  	s3 =	ssub.s32 $0x0, s20;
	[sflag:s22] =	ssyncset.done $0x0  }
0xa0: {  	[sflag:s22] =	ssyncadd.s32 s3;
	_ =	sdelay $0x1  }
0xa1: {  	s23 =	simm.s32 $0x1B8B  }
0xa2: {  	_ =	swait.ge [sflag:s23], $0x1  }
0xa3: {  	[sflag:s23] =	ssyncset.done $0x0  }
0xa4: {  	s25 =	simm.s32 $0x1B8E;
	s24 =	sld [smem:$0x3FFE];
	[sflag:s23] =	ssyncadd.s32 $0xFFFFFFFF  }
0xa5: {  	s26 =	simm.s32 $execute0_lowered;
	[smem:$0x3FD2] =	sst s25  }
0xa6: {  	s4 =	sshll.u32 s26, $0x1;
	_ =	strace $0x80000046;
	[dreg:$0x1] =	wrdreg $0xFFFFFFFF  }
0xa7: {  	s28 =	simm.s32 $_size_execute0_lowered;
	s2 =	sadd.s32 s2, s4;
	[dreg:$0x0] =	wrdreg $0x0  }
0xa8: {  	s4 =	sshll.u32 s28, $0x1;
	[dreg:$0x2] =	wrdreg s2  }
0xa9: {  	[dreg:$0x3] =	wrdreg s4  }
0xaa: {  	[dreg:$0x4] =	wrdreg $0xC0  }
0xab: {  	_ =	task [dreg:s6], $0x5FFFF  }
0xac: {  	[dreg:$0x1] =	wrdreg $0xFFFFFFFF  }
0xad: {  	[dreg:$0x0] =	wrdreg $0x60  }
0xae: {  	[dreg:$0x2] =	wrdreg s24  }
0xaf: {  	[dreg:$0x3] =	wrdreg $0x9  }
0xb0: {  	_ =	task.clear_ibuf [dreg:s6], $0x4FFFF;
	_ =	strace $0x90000046  }
0xb1: {  	s29 =	simm.s32 $0x9;
	_ =	strace $0x80000048  }
0xb2: {  	_ =	swait.ge [sflag:s29], $0x1  }
0xb3: {  	[sflag:s29] =	ssyncadd.s32 $0xFFFFFFFF  }
0xb4: {  	_ =	strace $0x90000048  }
0xb5: {  	_ =	sfence  }
0xb6: {  	s30 =	sld [smem:$0x0];
	_ =	sdelay $0x2  }
0xb7: {  	s31 =	sshll.u32 s1, $0xD;
	s1 =	sshrl.u32 s1, $0x2  }
0xb8: {  	s3 =	sand.u32 $0x4000, s31;
	s1 =	sadd.s32 s1, s30  }
0xb9: {  	s0 =	sor.u32 s3, s0;
	s1 =	sshll.u32 s1, $0x11  }
0xba: {  	s0 =	sor.u32 s1, s0  }
0xbb: {  	s0 =	sadd.s32 $0x8F2B, s0  }
0xbc: {  	[sflag:s0] =	ssyncadd.remote.s32 $0x1  }
0xbd: {  	_ =	sfence.sel $0xFFFF  }
0xbe: {  	[dreg:$0x0] =	wrdreg $0xFFFFFFFF;
	(pc) =	sbr.abs _section_cstart, $3  }
0xbf: {  	[dreg:$0x1] =	wrdreg $0xFFFFFFFF  }
0xc0: {  	_ =	task.clear_ibuf [dreg:s6], $0x2FFFF;
	_ =	strace $0x9FFFFFFF  }
0xc1: {  	(tm) =	ssettm $0x7FFFFFFF  }
tec
execute0_lowered:
.L_overlay_start_1:
0x0: {  	(tag) =	ssettag $0x1  }
0x1: {  	s1 =	srdreg.scid;
	s5 =	rddreg [dreg:$0x0]  }
0x2: {  	s2 =	simm.s32 $0x0;
	s7 =	sand.u32 $0x1, s1;
	s1 =	rddreg [dreg:$0x1]  }
0x3: {  	s9 =	simm.s32 $0x3C00;
	[smem:$0x7FF] =	sst s2  }
0x4: {  	s12 =	simm.s32 $0x9C80;
	_ =	strace $0x80000047;
	[dreg:$0x2] =	wrdreg s9  }
0x5: {  	s13 =	simm.s32 $0x4400;
	[dreg:$0x3] =	wrdreg s12  }
0x6: {  	s14 =	simm.s32 $0x9D00;
	[dreg:$0x4] =	wrdreg s13  }
0x7: {  	s15 =	simm.s32 $0x4C00;
	[dreg:$0x5] =	wrdreg s14  }
0x8: {  	s16 =	simm.s32 $0x9D80;
	[dreg:$0x6] =	wrdreg s15  }
0x9: {  	s17 =	simm.s32 $0x5400;
	[dreg:$0x7] =	wrdreg s16  }
0xa: {  	s19 =	simm.s32 $0x9E00;
	[dreg:$0x8] =	wrdreg s17  }
0xb: {  	s0 =	stileid.u32;
	s21 =	simm.s32 $0x5C00;
	[dreg:$0x9] =	wrdreg s19  }
0xc: {  	s22 =	simm.s32 $0x9E80;
	s23 =	simm.s32 $0x6400;
	[dreg:$0xa] =	wrdreg s21  }
0xd: {  	s24 =	simm.s32 $0x9F00;
	s26 =	simm.s32 $0x6C00;
	[dreg:$0xb] =	wrdreg s22  }
0xe: {  	s28 =	simm.s32 $0x9F80;
	s29 =	simm.s32 $0x7400;
	[dreg:$0xc] =	wrdreg s23  }
0xf: {  	s30 =	simm.s32 $0xA000;
	s31 =	simm.s32 $0x7C00;
	[dreg:$0xd] =	wrdreg s24  }
0x10: {  	s11 =	sshll.u32 s0, $0x1;
	s8 =	smul.u32 $0xD000, s0;
	[dreg:$0xe] =	wrdreg s26  }
0x11: {  	s4 =	sadd.s32 $0xE400, s5;
	s10 =	smul.u32 $0x6800, s0;
	[dreg:$0xf] =	wrdreg s28  }
0x12: {  	s3 =	sor.u32 s7, s11;
	s11 =	smul.u32 $0x3400, s7;
	[dreg:$0x10] =	wrdreg s29  }
0x13: {  	s18 =	ssub.s32 $0x2, s7;
	s25 =	smul.u32 $0x6800, s7;
	[dreg:$0x11] =	wrdreg s30  }
0x14: {  	[dreg:$0x12] =	wrdreg s31;
	s13 =	simm.s32 $0xA080;
	s12 =	simm.s32 $0x9C00  }
0x15: {  	s14 =	simm.s32 $0xA100;
	s15 =	simm.s32 $0x8C00;
	s16 =	simm.s32 $0xA180  }
0x16: {  	s17 =	simm.s32 $0x9400;
	s19 =	simm.s32 $0x1;
	s21 =	simm.s32 $0x0  }
0x17: {  	s3 =	smul.u32 $0x680, s3;
	s8 =	sadd.s32 s8, s5;
	s20 =	sshrl.u32 s18, $0x1  }
0x18: {  	[dreg:$0x13] =	wrdreg s13;
	s13 =	simm.s32 $0x8400;
	s10 =	sadd.s32 s11, s10  }
0x19: {  	s9 =	ssub.s32 s18, s20;
	s8 =	sadd.s32 s25, s8;
	s11 =	simm.s32 $0x3400  }
0x1a: {  	s18 =	simm.s32 $0xA200;
	s20 =	simm.s32 $0x2;
	s6 =	sadd.s32 s3, s5  }
0x1b: {  	s3 =	sadd.s32 $0x27AD800, s5;
	s10 =	sshrl.u32 s10, $0x3;
	s8 =	sadd.s32 $0x5DA00, s8  }
0x1c: {  	s10 =	sadd.s32 s10, s5;
	s5 =	sadd.s32 $0x1400, s6;
	s6 =	smax.u32 s9, $0x1  }
0x1d: {  	s9 =	simm.s32 $0x3;
	s7 =	sadd.s32 $0x12DA00, s10;
	s10 =	simm.s32 $0x80  }
.LBB2_1:
0x1e: {  	[tilespmem:s2], [sflag:$0x3] =	stream.linear.gather [hbm4b:s5+s2], $0x3400, $0x38;
	[tilespmem:$0xA280] =	vst v63  }
0x1f: {  	_ =	swait.ge [sflag:s9], $0x3400  }
0x20: {  	[sflag:s9] =	ssyncset.done $0x0  }
0x21: {  	s22 =	simm.s32 $0x0;
	[sflag:s9] =	ssyncadd.s32 $0xFFFFCC00  }
0x22: {  	[tilespmem:s11], [sflag:$0x1] =	stream.indirect.gather [hbm4b:s3+s10], $0x10, s22, s10, $0xb8;
	[tilespmem:$0xA280] =	vst v63  }
0x23: {  	_ = 	snop  }
0x24: {  	[tilespmem:s12], [sflag:$0x2] =	stream.indirect.gather [hbm4b:s4+s10], $0x1, s22, s10, $0xb8;
	[tilespmem:$0xA280] =	vst v63  }
0x25: {  	s25 =	simm.s32 $0x80;
	s23 =	rddreg [dreg:$0x2]  }
0x26: {  	[tilespmem:s23], [sflag:$0x1] =	stream.indirect.gather [hbm4b:s3+s10], $0x10, s25, s10, $0xb8;
	[tilespmem:$0xA280] =	vst v63  }
0x27: {  	s24 =	rddreg [dreg:$0x3]  }
0x28: {  	[tilespmem:s24], [sflag:$0x2] =	stream.indirect.gather [hbm4b:s4+s10], $0x1, s25, s10, $0xb8;
	[tilespmem:$0xA280] =	vst v63  }
0x29: {  	s29 =	simm.s32 $0x100;
	s26 =	rddreg [dreg:$0x4]  }
0x2a: {  	[tilespmem:s26], [sflag:$0x1] =	stream.indirect.gather [hbm4b:s3+s10], $0x10, s29, s10, $0xb8;
	[tilespmem:$0xA280] =	vst v63  }
0x2b: {  	s30 =	rddreg [dreg:$0x5]  }
0x2c: {  	[tilespmem:s30], [sflag:$0x2] =	stream.indirect.gather [hbm4b:s4+s10], $0x1, s29, s10, $0xb8;
	[tilespmem:$0xA280] =	vst v63  }
0x2d: {  	s31 =	rddreg [dreg:$0x6];
	s24 =	simm.s32 $0x180  }
0x2e: {  	[tilespmem:s31], [sflag:$0x1] =	stream.indirect.gather [hbm4b:s3+s10], $0x10, s24, s10, $0xb8;
	[tilespmem:$0xA280] =	vst v63  }
0x2f: {  	s25 =	rddreg [dreg:$0x7]  }
0x30: {  	[tilespmem:s25], [sflag:$0x2] =	stream.indirect.gather [hbm4b:s4+s10], $0x1, s24, s10, $0xb8;
	[tilespmem:$0xA280] =	vst v63  }
0x31: {  	s26 =	rddreg [dreg:$0x8];
	s29 =	simm.s32 $0x200  }
0x32: {  	[tilespmem:s26], [sflag:$0x1] =	stream.indirect.gather [hbm4b:s3+s10], $0x10, s29, s10, $0xb8;
	[tilespmem:$0xA280] =	vst v63  }
0x33: {  	s30 =	rddreg [dreg:$0x9]  }
0x34: {  	[tilespmem:s30], [sflag:$0x2] =	stream.indirect.gather [hbm4b:s4+s10], $0x1, s29, s10, $0xb8;
	[tilespmem:$0xA280] =	vst v63  }
0x35: {  	s31 =	rddreg [dreg:$0xa];
	s24 =	simm.s32 $0x280  }
0x36: {  	[tilespmem:s31], [sflag:$0x1] =	stream.indirect.gather [hbm4b:s3+s10], $0x10, s24, s10, $0xb8;
	[tilespmem:$0xA280] =	vst v63  }
0x37: {  	s25 =	rddreg [dreg:$0xb]  }
0x38: {  	[tilespmem:s25], [sflag:$0x2] =	stream.indirect.gather [hbm4b:s4+s10], $0x1, s24, s10, $0xb8;
	[tilespmem:$0xA280] =	vst v63  }
0x39: {  	s26 =	rddreg [dreg:$0xc];
	s29 =	simm.s32 $0x300  }
0x3a: {  	[tilespmem:s26], [sflag:$0x1] =	stream.indirect.gather [hbm4b:s3+s10], $0x10, s29, s10, $0xb8;
	[tilespmem:$0xA280] =	vst v63  }
0x3b: {  	s30 =	rddreg [dreg:$0xd]  }
0x3c: {  	[tilespmem:s30], [sflag:$0x2] =	stream.indirect.gather [hbm4b:s4+s10], $0x1, s29, s10, $0xb8;
	[tilespmem:$0xA280] =	vst v63  }
0x3d: {  	s31 =	rddreg [dreg:$0xe];
	s24 =	simm.s32 $0x380  }
0x3e: {  	[tilespmem:s31], [sflag:$0x1] =	stream.indirect.gather [hbm4b:s3+s10], $0x10, s24, s10, $0xb8;
	[tilespmem:$0xA280] =	vst v63  }
0x3f: {  	s25 =	rddreg [dreg:$0xf]  }
0x40: {  	[tilespmem:s25], [sflag:$0x2] =	stream.indirect.gather [hbm4b:s4+s10], $0x1, s24, s10, $0xb8;
	[tilespmem:$0xA280] =	vst v63  }
0x41: {  	s26 =	rddreg [dreg:$0x10];
	s29 =	simm.s32 $0x400  }
0x42: {  	[tilespmem:s26], [sflag:$0x1] =	stream.indirect.gather [hbm4b:s3+s10], $0x10, s29, s10, $0xb8;
	[tilespmem:$0xA280] =	vst v63  }
0x43: {  	s30 =	rddreg [dreg:$0x11]  }
0x44: {  	[tilespmem:s30], [sflag:$0x2] =	stream.indirect.gather [hbm4b:s4+s10], $0x1, s29, s10, $0xb8;
	[tilespmem:$0xA280] =	vst v63  }
0x45: {  	s31 =	rddreg [dreg:$0x12];
	s25 =	simm.s32 $0x480  }
0x46: {  	[tilespmem:s31], [sflag:$0x1] =	stream.indirect.gather [hbm4b:s3+s10], $0x10, s25, s10, $0xb8;
	[tilespmem:$0xA280] =	vst v63  }
0x47: {  	s26 =	rddreg [dreg:$0x13]  }
0x48: {  	[tilespmem:s26], [sflag:$0x2] =	stream.indirect.gather [hbm4b:s4+s10], $0x1, s25, s10, $0xb8;
	[tilespmem:$0xA280] =	vst v63  }
0x49: {  	s29 =	simm.s32 $0x500  }
0x4a: {  	[tilespmem:s13], [sflag:$0x1] =	stream.indirect.gather [hbm4b:s3+s10], $0x10, s29, s10, $0xb8;
	[tilespmem:$0xA280] =	vst v63  }
0x4b: {  	_ = 	snop  }
0x4c: {  	[tilespmem:s14], [sflag:$0x2] =	stream.indirect.gather [hbm4b:s4+s10], $0x1, s29, s10, $0xb8;
	[tilespmem:$0xA280] =	vst v63  }
0x4d: {  	s30 =	simm.s32 $0x580  }
0x4e: {  	[tilespmem:s15], [sflag:$0x1] =	stream.indirect.gather [hbm4b:s3+s10], $0x10, s30, s10, $0xb8;
	[tilespmem:$0xA280] =	vst v63  }
0x4f: {  	_ = 	snop  }
0x50: {  	[tilespmem:s16], [sflag:$0x2] =	stream.indirect.gather [hbm4b:s4+s10], $0x1, s30, s10, $0xb8;
	[tilespmem:$0xA280] =	vst v63  }
0x51: {  	s31 =	simm.s32 $0x600  }
0x52: {  	[tilespmem:s17], [sflag:$0x1] =	stream.indirect.gather [hbm4b:s3+s10], $0x10, s31, s10, $0xb8;
	[tilespmem:$0xA280] =	vst v63  }
0x53: {  	_ = 	snop  }
0x54: {  	[tilespmem:s18], [sflag:$0x2] =	stream.indirect.gather [hbm4b:s4+s10], $0x1, s31, s10, $0xb8;
	[tilespmem:$0xA280] =	vst v63  }
0x55: {  	_ =	swait.ge [sflag:s19], $0x800  }
0x56: {  	[sflag:s19] =	ssyncset.done $0x0  }
0x57: {  	[sflag:s19] =	ssyncadd.s32 $0xFFFFF800  }
0x58: {  	_ =	swait.ge [sflag:s20], $0x80  }
0x59: {  	[sflag:s20] =	ssyncset.done $0x0  }
0x5a: {  	[sflag:s20] =	ssyncadd.s32 $0xFFFFFF80  }
0x5b: {  	_ =	swait.ge [sflag:s19], $0x800  }
0x5c: {  	[sflag:s19] =	ssyncset.done $0x0  }
0x5d: {  	[sflag:s19] =	ssyncadd.s32 $0xFFFFF800  }
0x5e: {  	_ =	swait.ge [sflag:s20], $0x80  }
0x5f: {  	[sflag:s20] =	ssyncset.done $0x0  }
0x60: {  	[sflag:s20] =	ssyncadd.s32 $0xFFFFFF80  }
0x61: {  	_ =	swait.ge [sflag:s19], $0x800  }
0x62: {  	[sflag:s19] =	ssyncset.done $0x0  }
0x63: {  	[sflag:s19] =	ssyncadd.s32 $0xFFFFF800  }
0x64: {  	_ =	swait.ge [sflag:s20], $0x80  }
0x65: {  	[sflag:s20] =	ssyncset.done $0x0  }
0x66: {  	[sflag:s20] =	ssyncadd.s32 $0xFFFFFF80  }
0x67: {  	_ =	swait.ge [sflag:s19], $0x800  }
0x68: {  	[sflag:s19] =	ssyncset.done $0x0  }
0x69: {  	[sflag:s19] =	ssyncadd.s32 $0xFFFFF800  }
0x6a: {  	_ =	swait.ge [sflag:s20], $0x80  }
0x6b: {  	[sflag:s20] =	ssyncset.done $0x0  }
0x6c: {  	[sflag:s20] =	ssyncadd.s32 $0xFFFFFF80  }
0x6d: {  	_ =	swait.ge [sflag:s19], $0x800  }
0x6e: {  	[sflag:s19] =	ssyncset.done $0x0  }
0x6f: {  	[sflag:s19] =	ssyncadd.s32 $0xFFFFF800  }
0x70: {  	_ =	swait.ge [sflag:s20], $0x80  }
0x71: {  	[sflag:s20] =	ssyncset.done $0x0  }
0x72: {  	[sflag:s20] =	ssyncadd.s32 $0xFFFFFF80  }
0x73: {  	_ =	swait.ge [sflag:s19], $0x800  }
0x74: {  	[sflag:s19] =	ssyncset.done $0x0  }
0x75: {  	[sflag:s19] =	ssyncadd.s32 $0xFFFFF800  }
0x76: {  	_ =	swait.ge [sflag:s20], $0x80  }
0x77: {  	[sflag:s20] =	ssyncset.done $0x0  }
0x78: {  	[sflag:s20] =	ssyncadd.s32 $0xFFFFFF80  }
0x79: {  	_ =	swait.ge [sflag:s19], $0x800  }
0x7a: {  	[sflag:s19] =	ssyncset.done $0x0  }
0x7b: {  	[sflag:s19] =	ssyncadd.s32 $0xFFFFF800  }
0x7c: {  	_ =	swait.ge [sflag:s20], $0x80  }
0x7d: {  	[sflag:s20] =	ssyncset.done $0x0  }
0x7e: {  	[sflag:s20] =	ssyncadd.s32 $0xFFFFFF80  }
0x7f: {  	_ =	swait.ge [sflag:s19], $0x800  }
0x80: {  	[sflag:s19] =	ssyncset.done $0x0  }
0x81: {  	[sflag:s19] =	ssyncadd.s32 $0xFFFFF800  }
0x82: {  	_ =	swait.ge [sflag:s20], $0x80  }
0x83: {  	[sflag:s20] =	ssyncset.done $0x0  }
0x84: {  	[sflag:s20] =	ssyncadd.s32 $0xFFFFFF80  }
0x85: {  	_ =	swait.ge [sflag:s19], $0x800  }
0x86: {  	[sflag:s19] =	ssyncset.done $0x0  }
0x87: {  	[sflag:s19] =	ssyncadd.s32 $0xFFFFF800  }
0x88: {  	_ =	swait.ge [sflag:s20], $0x80  }
0x89: {  	[sflag:s20] =	ssyncset.done $0x0  }
0x8a: {  	[sflag:s20] =	ssyncadd.s32 $0xFFFFFF80  }
0x8b: {  	_ =	swait.ge [sflag:s19], $0x800  }
0x8c: {  	[sflag:s19] =	ssyncset.done $0x0  }
0x8d: {  	[sflag:s19] =	ssyncadd.s32 $0xFFFFF800  }
0x8e: {  	_ =	swait.ge [sflag:s20], $0x80  }
0x8f: {  	[sflag:s20] =	ssyncset.done $0x0  }
0x90: {  	[sflag:s20] =	ssyncadd.s32 $0xFFFFFF80  }
0x91: {  	_ =	swait.ge [sflag:s19], $0x800  }
0x92: {  	[sflag:s19] =	ssyncset.done $0x0  }
0x93: {  	[sflag:s19] =	ssyncadd.s32 $0xFFFFF800  }
0x94: {  	_ =	swait.ge [sflag:s20], $0x80  }
0x95: {  	[sflag:s20] =	ssyncset.done $0x0  }
0x96: {  	[sflag:s20] =	ssyncadd.s32 $0xFFFFFF80  }
0x97: {  	_ =	swait.ge [sflag:s19], $0x800  }
0x98: {  	[sflag:s19] =	ssyncset.done $0x0  }
0x99: {  	[sflag:s19] =	ssyncadd.s32 $0xFFFFF800  }
0x9a: {  	_ =	swait.ge [sflag:s20], $0x80  }
0x9b: {  	[sflag:s20] =	ssyncset.done $0x0  }
0x9c: {  	[sflag:s20] =	ssyncadd.s32 $0xFFFFFF80  }
0x9d: {  	_ =	swait.ge [sflag:s19], $0x800  }
0x9e: {  	[sflag:s19] =	ssyncset.done $0x0  }
0x9f: {  	[sflag:s19] =	ssyncadd.s32 $0xFFFFF800  }
0xa0: {  	_ =	swait.ge [sflag:s20], $0x80  }
0xa1: {  	[sflag:s20] =	ssyncset.done $0x0  }
0xa2: {  	[sflag:s20] =	ssyncadd.s32 $0xFFFFFF80  }
0xa3: {  	[hbm4b:s8+s2] =	stream.linear.scatter [tilespmem:s11], [sflag:$0x3], $0x6800, $0x38;
	[tilespmem:$0xA280] =	vst v63  }
0xa4: {  	_ =	swait.ge [sflag:s9], $0x6800  }
0xa5: {  	[sflag:s9] =	ssyncset.done $0x0  }
0xa6: {  	[sflag:s9] =	ssyncadd.s32 $0xFFFF9800  }
0xa7: {  	[hbm4b:s7+s2] =	stream.linear.scatter [tilespmem:s12], [sflag:$0x3], $0x680, $0x38;
	[tilespmem:$0xA280] =	vst v63  }
0xa8: {  	s28 =	simm.s32 $0x3400;
	s22 =	sadd.s32 $0xD0, s7;
	_ =	swait.ge [sflag:s9], $0x680  }
0xa9: {  	s23 =	sadd.s32 $0xD00, s8;
	s24 =	simm.s32 $0x1A00;
	[sflag:s9] =	ssyncset.done $0x0  }
.LBB2_2:
0xaa: {  	s26 =	sshra.s32 s24, $0x2;
	[sflag:s9] =	ssyncadd.s32 $0xFFFFF980  }
0xab: {  	[tilespmem:s11], [sflag:$0x1] =	stream.indirect.gather [hbm4b:s3+s10], $0x10, s26, s10, $0xb8;
	[tilespmem:$0xA280] =	vst v63  }
0xac: {  	s24 =	smov.u32 s28;
	s25 =	sadd.s32 $0x1A00, s28  }
0xad: {  	[tilespmem:s12], [sflag:$0x2] =	stream.indirect.gather [hbm4b:s4+s10], $0x1, s26, s10, $0xb8;
	[tilespmem:$0xA280] =	vst v63  }
0xae: {  	p0 =	sne.s32 s28, $0xB600;
	s28 =	rddreg [dreg:$0x2];
	s29 =	sadd.s32 $0x80, s26  }
0xaf: {  	[tilespmem:s28], [sflag:$0x1] =	stream.indirect.gather [hbm4b:s3+s10], $0x10, s29, s10, $0xb8;
	[tilespmem:$0xA280] =	vst v63  }
0xb0: {  	s30 =	rddreg [dreg:$0x3]  }
0xb1: {  	[tilespmem:s30], [sflag:$0x2] =	stream.indirect.gather [hbm4b:s4+s10], $0x1, s29, s10, $0xb8;
	[tilespmem:$0xA280] =	vst v63  }
0xb2: {  	s28 =	rddreg [dreg:$0x4];
	s29 =	sadd.s32 $0x100, s26  }
0xb3: {  	[tilespmem:s28], [sflag:$0x1] =	stream.indirect.gather [hbm4b:s3+s10], $0x10, s29, s10, $0xb8;
	[tilespmem:$0xA280] =	vst v63  }
0xb4: {  	s31 =	rddreg [dreg:$0x5]  }
0xb5: {  	[tilespmem:s31], [sflag:$0x2] =	stream.indirect.gather [hbm4b:s4+s10], $0x1, s29, s10, $0xb8;
	[tilespmem:$0xA280] =	vst v63  }
0xb6: {  	s28 =	rddreg [dreg:$0x6];
	s29 =	sadd.s32 $0x180, s26  }
0xb7: {  	[tilespmem:s28], [sflag:$0x1] =	stream.indirect.gather [hbm4b:s3+s10], $0x10, s29, s10, $0xb8;
	[tilespmem:$0xA280] =	vst v63  }
0xb8: {  	s31 =	rddreg [dreg:$0x7]  }
0xb9: {  	[tilespmem:s31], [sflag:$0x2] =	stream.indirect.gather [hbm4b:s4+s10], $0x1, s29, s10, $0xb8;
	[tilespmem:$0xA280] =	vst v63  }
0xba: {  	s28 =	rddreg [dreg:$0x8];
	s29 =	sadd.s32 $0x200, s26  }
0xbb: {  	[tilespmem:s28], [sflag:$0x1] =	stream.indirect.gather [hbm4b:s3+s10], $0x10, s29, s10, $0xb8;
	[tilespmem:$0xA280] =	vst v63  }
0xbc: {  	s31 =	rddreg [dreg:$0x9]  }
0xbd: {  	[tilespmem:s31], [sflag:$0x2] =	stream.indirect.gather [hbm4b:s4+s10], $0x1, s29, s10, $0xb8;
	[tilespmem:$0xA280] =	vst v63  }
0xbe: {  	s28 =	rddreg [dreg:$0xa];
	s29 =	sadd.s32 $0x280, s26  }
0xbf: {  	[tilespmem:s28], [sflag:$0x1] =	stream.indirect.gather [hbm4b:s3+s10], $0x10, s29, s10, $0xb8;
	[tilespmem:$0xA280] =	vst v63  }
0xc0: {  	s31 =	rddreg [dreg:$0xb]  }
0xc1: {  	[tilespmem:s31], [sflag:$0x2] =	stream.indirect.gather [hbm4b:s4+s10], $0x1, s29, s10, $0xb8;
	[tilespmem:$0xA280] =	vst v63  }
0xc2: {  	s28 =	rddreg [dreg:$0xc];
	s29 =	sadd.s32 $0x300, s26  }
0xc3: {  	[tilespmem:s28], [sflag:$0x1] =	stream.indirect.gather [hbm4b:s3+s10], $0x10, s29, s10, $0xb8;
	[tilespmem:$0xA280] =	vst v63  }
0xc4: {  	s31 =	rddreg [dreg:$0xd]  }
0xc5: {  	[tilespmem:s31], [sflag:$0x2] =	stream.indirect.gather [hbm4b:s4+s10], $0x1, s29, s10, $0xb8;
	[tilespmem:$0xA280] =	vst v63  }
0xc6: {  	s28 =	rddreg [dreg:$0xe];
	s29 =	sadd.s32 $0x380, s26  }
0xc7: {  	[tilespmem:s28], [sflag:$0x1] =	stream.indirect.gather [hbm4b:s3+s10], $0x10, s29, s10, $0xb8;
	[tilespmem:$0xA280] =	vst v63  }
0xc8: {  	s31 =	rddreg [dreg:$0xf]  }
0xc9: {  	[tilespmem:s31], [sflag:$0x2] =	stream.indirect.gather [hbm4b:s4+s10], $0x1, s29, s10, $0xb8;
	[tilespmem:$0xA280] =	vst v63  }
0xca: {  	s28 =	rddreg [dreg:$0x10];
	s29 =	sadd.s32 $0x400, s26  }
0xcb: {  	[tilespmem:s28], [sflag:$0x1] =	stream.indirect.gather [hbm4b:s3+s10], $0x10, s29, s10, $0xb8;
	[tilespmem:$0xA280] =	vst v63  }
0xcc: {  	s31 =	rddreg [dreg:$0x11]  }
0xcd: {  	[tilespmem:s31], [sflag:$0x2] =	stream.indirect.gather [hbm4b:s4+s10], $0x1, s29, s10, $0xb8;
	[tilespmem:$0xA280] =	vst v63  }
0xce: {  	s28 =	rddreg [dreg:$0x12];
	s29 =	sadd.s32 $0x480, s26  }
0xcf: {  	[tilespmem:s28], [sflag:$0x1] =	stream.indirect.gather [hbm4b:s3+s10], $0x10, s29, s10, $0xb8;
	[tilespmem:$0xA280] =	vst v63  }
0xd0: {  	s31 =	rddreg [dreg:$0x13]  }
0xd1: {  	[tilespmem:s31], [sflag:$0x2] =	stream.indirect.gather [hbm4b:s4+s10], $0x1, s29, s10, $0xb8;
	[tilespmem:$0xA280] =	vst v63  }
0xd2: {  	s28 =	sadd.s32 $0x500, s26  }
0xd3: {  	[tilespmem:s13], [sflag:$0x1] =	stream.indirect.gather [hbm4b:s3+s10], $0x10, s28, s10, $0xb8;
	[tilespmem:$0xA280] =	vst v63  }
0xd4: {  	_ = 	snop  }
0xd5: {  	[tilespmem:s14], [sflag:$0x2] =	stream.indirect.gather [hbm4b:s4+s10], $0x1, s28, s10, $0xb8;
	[tilespmem:$0xA280] =	vst v63  }
0xd6: {  	s28 =	sadd.s32 $0x580, s26  }
0xd7: {  	[tilespmem:s15], [sflag:$0x1] =	stream.indirect.gather [hbm4b:s3+s10], $0x10, s28, s10, $0xb8;
	[tilespmem:$0xA280] =	vst v63  }
0xd8: {  	_ = 	snop  }
0xd9: {  	[tilespmem:s16], [sflag:$0x2] =	stream.indirect.gather [hbm4b:s4+s10], $0x1, s28, s10, $0xb8;
	[tilespmem:$0xA280] =	vst v63  }
0xda: {  	s26 =	sadd.s32 $0x600, s26  }
0xdb: {  	[tilespmem:s17], [sflag:$0x1] =	stream.indirect.gather [hbm4b:s3+s10], $0x10, s26, s10, $0xb8;
	[tilespmem:$0xA280] =	vst v63  }
0xdc: {  	_ = 	snop  }
0xdd: {  	[tilespmem:s18], [sflag:$0x2] =	stream.indirect.gather [hbm4b:s4+s10], $0x1, s26, s10, $0xb8;
	[tilespmem:$0xA280] =	vst v63  }
0xde: {  	_ =	swait.ge [sflag:s19], $0x800  }
0xdf: {  	[sflag:s19] =	ssyncset.done $0x0  }
0xe0: {  	[sflag:s19] =	ssyncadd.s32 $0xFFFFF800  }
0xe1: {  	_ =	swait.ge [sflag:s20], $0x80  }
0xe2: {  	[sflag:s20] =	ssyncset.done $0x0  }
0xe3: {  	[sflag:s20] =	ssyncadd.s32 $0xFFFFFF80  }
0xe4: {  	_ =	swait.ge [sflag:s19], $0x800  }
0xe5: {  	[sflag:s19] =	ssyncset.done $0x0  }
0xe6: {  	[sflag:s19] =	ssyncadd.s32 $0xFFFFF800  }
0xe7: {  	_ =	swait.ge [sflag:s20], $0x80  }
0xe8: {  	[sflag:s20] =	ssyncset.done $0x0  }
0xe9: {  	[sflag:s20] =	ssyncadd.s32 $0xFFFFFF80  }
0xea: {  	_ =	swait.ge [sflag:s19], $0x800  }
0xeb: {  	[sflag:s19] =	ssyncset.done $0x0  }
0xec: {  	[sflag:s19] =	ssyncadd.s32 $0xFFFFF800  }
0xed: {  	_ =	swait.ge [sflag:s20], $0x80  }
0xee: {  	[sflag:s20] =	ssyncset.done $0x0  }
0xef: {  	[sflag:s20] =	ssyncadd.s32 $0xFFFFFF80  }
0xf0: {  	_ =	swait.ge [sflag:s19], $0x800  }
0xf1: {  	[sflag:s19] =	ssyncset.done $0x0  }
0xf2: {  	[sflag:s19] =	ssyncadd.s32 $0xFFFFF800  }
0xf3: {  	_ =	swait.ge [sflag:s20], $0x80  }
0xf4: {  	[sflag:s20] =	ssyncset.done $0x0  }
0xf5: {  	[sflag:s20] =	ssyncadd.s32 $0xFFFFFF80  }
0xf6: {  	_ =	swait.ge [sflag:s19], $0x800  }
0xf7: {  	[sflag:s19] =	ssyncset.done $0x0  }
0xf8: {  	[sflag:s19] =	ssyncadd.s32 $0xFFFFF800  }
0xf9: {  	_ =	swait.ge [sflag:s20], $0x80  }
0xfa: {  	[sflag:s20] =	ssyncset.done $0x0  }
0xfb: {  	[sflag:s20] =	ssyncadd.s32 $0xFFFFFF80  }
0xfc: {  	_ =	swait.ge [sflag:s19], $0x800  }
0xfd: {  	[sflag:s19] =	ssyncset.done $0x0  }
0xfe: {  	[sflag:s19] =	ssyncadd.s32 $0xFFFFF800  }
0xff: {  	_ =	swait.ge [sflag:s20], $0x80  }
0x100: {  	[sflag:s20] =	ssyncset.done $0x0  }
0x101: {  	[sflag:s20] =	ssyncadd.s32 $0xFFFFFF80  }
0x102: {  	_ =	swait.ge [sflag:s19], $0x800  }
0x103: {  	[sflag:s19] =	ssyncset.done $0x0  }
0x104: {  	[sflag:s19] =	ssyncadd.s32 $0xFFFFF800  }
0x105: {  	_ =	swait.ge [sflag:s20], $0x80  }
0x106: {  	[sflag:s20] =	ssyncset.done $0x0  }
0x107: {  	[sflag:s20] =	ssyncadd.s32 $0xFFFFFF80  }
0x108: {  	_ =	swait.ge [sflag:s19], $0x800  }
0x109: {  	[sflag:s19] =	ssyncset.done $0x0  }
0x10a: {  	[sflag:s19] =	ssyncadd.s32 $0xFFFFF800  }
0x10b: {  	_ =	swait.ge [sflag:s20], $0x80  }
0x10c: {  	[sflag:s20] =	ssyncset.done $0x0  }
0x10d: {  	[sflag:s20] =	ssyncadd.s32 $0xFFFFFF80  }
0x10e: {  	_ =	swait.ge [sflag:s19], $0x800  }
0x10f: {  	[sflag:s19] =	ssyncset.done $0x0  }
0x110: {  	[sflag:s19] =	ssyncadd.s32 $0xFFFFF800  }
0x111: {  	_ =	swait.ge [sflag:s20], $0x80  }
0x112: {  	[sflag:s20] =	ssyncset.done $0x0  }
0x113: {  	[sflag:s20] =	ssyncadd.s32 $0xFFFFFF80  }
0x114: {  	_ =	swait.ge [sflag:s19], $0x800  }
0x115: {  	[sflag:s19] =	ssyncset.done $0x0  }
0x116: {  	[sflag:s19] =	ssyncadd.s32 $0xFFFFF800  }
0x117: {  	_ =	swait.ge [sflag:s20], $0x80  }
0x118: {  	[sflag:s20] =	ssyncset.done $0x0  }
0x119: {  	[sflag:s20] =	ssyncadd.s32 $0xFFFFFF80  }
0x11a: {  	_ =	swait.ge [sflag:s19], $0x800  }
0x11b: {  	[sflag:s19] =	ssyncset.done $0x0  }
0x11c: {  	[sflag:s19] =	ssyncadd.s32 $0xFFFFF800  }
0x11d: {  	_ =	swait.ge [sflag:s20], $0x80  }
0x11e: {  	[sflag:s20] =	ssyncset.done $0x0  }
0x11f: {  	[sflag:s20] =	ssyncadd.s32 $0xFFFFFF80  }
0x120: {  	_ =	swait.ge [sflag:s19], $0x800  }
0x121: {  	[sflag:s19] =	ssyncset.done $0x0  }
0x122: {  	[sflag:s19] =	ssyncadd.s32 $0xFFFFF800  }
0x123: {  	_ =	swait.ge [sflag:s20], $0x80  }
0x124: {  	[sflag:s20] =	ssyncset.done $0x0  }
0x125: {  	[sflag:s20] =	ssyncadd.s32 $0xFFFFFF80  }
0x126: {  	_ =	swait.ge [sflag:s19], $0x800  }
0x127: {  	[sflag:s19] =	ssyncset.done $0x0  }
0x128: {  	[sflag:s19] =	ssyncadd.s32 $0xFFFFF800  }
0x129: {  	_ =	swait.ge [sflag:s20], $0x80  }
0x12a: {  	[sflag:s20] =	ssyncset.done $0x0  }
0x12b: {  	[sflag:s20] =	ssyncadd.s32 $0xFFFFFF80  }
0x12c: {  	[hbm4b:s23+s2] =	stream.linear.scatter [tilespmem:s11], [sflag:$0x3], $0x6800, $0x38;
	[tilespmem:$0xA280] =	vst v63  }
0x12d: {  	_ =	swait.ge [sflag:s9], $0x6800  }
.Ltmp0:
0x12e: {  	[sflag:s9] =	ssyncset.done $0x0;
	(pc) =	sbr.rel @p0 .LBB2_2-.Ltmp0, $4  }
0x12f: {  	[sflag:s9] =	ssyncadd.s32 $0xFFFF9800  }
0x130: {  	[hbm4b:s22+s2] =	stream.linear.scatter [tilespmem:s12], [sflag:$0x3], $0x680, $0x38;
	[tilespmem:$0xA280] =	vst v63  }
0x131: {  	s28 =	smov.u32 s25;
	_ =	swait.ge [sflag:s9], $0x680  }
0x132: {  	s23 =	sadd.s32 $0xD00, s23;
	s22 =	sadd.s32 $0xD0, s22;
	[sflag:s9] =	ssyncset.done $0x0  }
0x133: {  	s24 =	sshra.s32 s24, $0x2;
	[sflag:s9] =	ssyncadd.s32 $0xFFFFF980  }
0x134: {  	[tilespmem:s11], [sflag:$0x1] =	stream.indirect.gather [hbm4b:s3+s10], $0x10, s24, s10, $0xb8;
	[tilespmem:$0xA280] =	vst v63  }
0x135: {  	_ = 	snop  }
0x136: {  	[tilespmem:s12], [sflag:$0x2] =	stream.indirect.gather [hbm4b:s4+s10], $0x1, s24, s10, $0xb8;
	[tilespmem:$0xA280] =	vst v63  }
0x137: {  	s25 =	rddreg [dreg:$0x2];
	s26 =	sadd.s32 $0x80, s24  }
0x138: {  	[tilespmem:s25], [sflag:$0x1] =	stream.indirect.gather [hbm4b:s3+s10], $0x10, s26, s10, $0xb8;
	[tilespmem:$0xA280] =	vst v63  }
0x139: {  	s28 =	rddreg [dreg:$0x3]  }
0x13a: {  	[tilespmem:s28], [sflag:$0x2] =	stream.indirect.gather [hbm4b:s4+s10], $0x1, s26, s10, $0xb8;
	[tilespmem:$0xA280] =	vst v63  }
0x13b: {  	s30 =	rddreg [dreg:$0x4];
	s31 =	sadd.s32 $0x100, s24  }
0x13c: {  	[tilespmem:s30], [sflag:$0x1] =	stream.indirect.gather [hbm4b:s3+s10], $0x10, s31, s10, $0xb8;
	[tilespmem:$0xA280] =	vst v63  }
0x13d: {  	s29 =	rddreg [dreg:$0x5]  }
0x13e: {  	[tilespmem:s29], [sflag:$0x2] =	stream.indirect.gather [hbm4b:s4+s10], $0x1, s31, s10, $0xb8;
	[tilespmem:$0xA280] =	vst v63  }
0x13f: {  	s30 =	rddreg [dreg:$0x6];
	s31 =	sadd.s32 $0x180, s24  }
0x140: {  	[tilespmem:s30], [sflag:$0x1] =	stream.indirect.gather [hbm4b:s3+s10], $0x10, s31, s10, $0xb8;
	[tilespmem:$0xA280] =	vst v63  }
0x141: {  	s29 =	rddreg [dreg:$0x7]  }
0x142: {  	[tilespmem:s29], [sflag:$0x2] =	stream.indirect.gather [hbm4b:s4+s10], $0x1, s31, s10, $0xb8;
	[tilespmem:$0xA280] =	vst v63  }
0x143: {  	s30 =	rddreg [dreg:$0x8];
	s31 =	sadd.s32 $0x200, s24  }
0x144: {  	[tilespmem:s30], [sflag:$0x1] =	stream.indirect.gather [hbm4b:s3+s10], $0x10, s31, s10, $0xb8;
	[tilespmem:$0xA280] =	vst v63  }
0x145: {  	s29 =	rddreg [dreg:$0x9]  }
0x146: {  	[tilespmem:s29], [sflag:$0x2] =	stream.indirect.gather [hbm4b:s4+s10], $0x1, s31, s10, $0xb8;
	[tilespmem:$0xA280] =	vst v63  }
0x147: {  	s30 =	rddreg [dreg:$0xa];
	s31 =	sadd.s32 $0x280, s24  }
0x148: {  	[tilespmem:s30], [sflag:$0x1] =	stream.indirect.gather [hbm4b:s3+s10], $0x10, s31, s10, $0xb8;
	[tilespmem:$0xA280] =	vst v63  }
0x149: {  	s29 =	rddreg [dreg:$0xb]  }
0x14a: {  	[tilespmem:s29], [sflag:$0x2] =	stream.indirect.gather [hbm4b:s4+s10], $0x1, s31, s10, $0xb8;
	[tilespmem:$0xA280] =	vst v63  }
0x14b: {  	s30 =	rddreg [dreg:$0xc];
	s31 =	sadd.s32 $0x300, s24  }
0x14c: {  	[tilespmem:s30], [sflag:$0x1] =	stream.indirect.gather [hbm4b:s3+s10], $0x10, s31, s10, $0xb8;
	[tilespmem:$0xA280] =	vst v63  }
0x14d: {  	s29 =	rddreg [dreg:$0xd]  }
0x14e: {  	[tilespmem:s29], [sflag:$0x2] =	stream.indirect.gather [hbm4b:s4+s10], $0x1, s31, s10, $0xb8;
	[tilespmem:$0xA280] =	vst v63  }
0x14f: {  	s30 =	rddreg [dreg:$0xe];
	s31 =	sadd.s32 $0x380, s24  }
0x150: {  	[tilespmem:s30], [sflag:$0x1] =	stream.indirect.gather [hbm4b:s3+s10], $0x10, s31, s10, $0xb8;
	[tilespmem:$0xA280] =	vst v63  }
0x151: {  	s29 =	rddreg [dreg:$0xf]  }
0x152: {  	[tilespmem:s29], [sflag:$0x2] =	stream.indirect.gather [hbm4b:s4+s10], $0x1, s31, s10, $0xb8;
	[tilespmem:$0xA280] =	vst v63  }
0x153: {  	s30 =	rddreg [dreg:$0x10];
	s31 =	sadd.s32 $0x400, s24  }
0x154: {  	[tilespmem:s30], [sflag:$0x1] =	stream.indirect.gather [hbm4b:s3+s10], $0x10, s31, s10, $0xb8;
	[tilespmem:$0xA280] =	vst v63  }
0x155: {  	s29 =	rddreg [dreg:$0x11]  }
0x156: {  	[tilespmem:s29], [sflag:$0x2] =	stream.indirect.gather [hbm4b:s4+s10], $0x1, s31, s10, $0xb8;
	[tilespmem:$0xA280] =	vst v63  }
0x157: {  	s30 =	rddreg [dreg:$0x12];
	s31 =	sadd.s32 $0x480, s24  }
0x158: {  	[tilespmem:s30], [sflag:$0x1] =	stream.indirect.gather [hbm4b:s3+s10], $0x10, s31, s10, $0xb8;
	[tilespmem:$0xA280] =	vst v63  }
0x159: {  	s29 =	rddreg [dreg:$0x13]  }
0x15a: {  	[tilespmem:s29], [sflag:$0x2] =	stream.indirect.gather [hbm4b:s4+s10], $0x1, s31, s10, $0xb8;
	[tilespmem:$0xA280] =	vst v63  }
0x15b: {  	s30 =	sadd.s32 $0x500, s24  }
0x15c: {  	[tilespmem:s13], [sflag:$0x1] =	stream.indirect.gather [hbm4b:s3+s10], $0x10, s30, s10, $0xb8;
	[tilespmem:$0xA280] =	vst v63  }
0x15d: {  	_ = 	snop  }
0x15e: {  	[tilespmem:s14], [sflag:$0x2] =	stream.indirect.gather [hbm4b:s4+s10], $0x1, s30, s10, $0xb8;
	[tilespmem:$0xA280] =	vst v63  }
0x15f: {  	s31 =	sadd.s32 $0x580, s24  }
0x160: {  	[tilespmem:s15], [sflag:$0x1] =	stream.indirect.gather [hbm4b:s3+s10], $0x10, s31, s10, $0xb8;
	[tilespmem:$0xA280] =	vst v63  }
0x161: {  	_ = 	snop  }
0x162: {  	[tilespmem:s16], [sflag:$0x2] =	stream.indirect.gather [hbm4b:s4+s10], $0x1, s31, s10, $0xb8;
	[tilespmem:$0xA280] =	vst v63  }
0x163: {  	s24 =	sadd.s32 $0x600, s24  }
0x164: {  	[tilespmem:s17], [sflag:$0x1] =	stream.indirect.gather [hbm4b:s3+s10], $0x10, s24, s10, $0xb8;
	[tilespmem:$0xA280] =	vst v63  }
0x165: {  	_ = 	snop  }
0x166: {  	[tilespmem:s18], [sflag:$0x2] =	stream.indirect.gather [hbm4b:s4+s10], $0x1, s24, s10, $0xb8;
	[tilespmem:$0xA280] =	vst v63  }
0x167: {  	_ =	swait.ge [sflag:s19], $0x800  }
0x168: {  	[sflag:s19] =	ssyncset.done $0x0  }
0x169: {  	[sflag:s19] =	ssyncadd.s32 $0xFFFFF800  }
0x16a: {  	_ =	swait.ge [sflag:s20], $0x80  }
0x16b: {  	[sflag:s20] =	ssyncset.done $0x0  }
0x16c: {  	[sflag:s20] =	ssyncadd.s32 $0xFFFFFF80  }
0x16d: {  	_ =	swait.ge [sflag:s19], $0x800  }
0x16e: {  	[sflag:s19] =	ssyncset.done $0x0  }
0x16f: {  	[sflag:s19] =	ssyncadd.s32 $0xFFFFF800  }
0x170: {  	_ =	swait.ge [sflag:s20], $0x80  }
0x171: {  	[sflag:s20] =	ssyncset.done $0x0  }
0x172: {  	[sflag:s20] =	ssyncadd.s32 $0xFFFFFF80  }
0x173: {  	_ =	swait.ge [sflag:s19], $0x800  }
0x174: {  	[sflag:s19] =	ssyncset.done $0x0  }
0x175: {  	[sflag:s19] =	ssyncadd.s32 $0xFFFFF800  }
0x176: {  	_ =	swait.ge [sflag:s20], $0x80  }
0x177: {  	[sflag:s20] =	ssyncset.done $0x0  }
0x178: {  	[sflag:s20] =	ssyncadd.s32 $0xFFFFFF80  }
0x179: {  	_ =	swait.ge [sflag:s19], $0x800  }
0x17a: {  	[sflag:s19] =	ssyncset.done $0x0  }
0x17b: {  	[sflag:s19] =	ssyncadd.s32 $0xFFFFF800  }
0x17c: {  	_ =	swait.ge [sflag:s20], $0x80  }
0x17d: {  	[sflag:s20] =	ssyncset.done $0x0  }
0x17e: {  	[sflag:s20] =	ssyncadd.s32 $0xFFFFFF80  }
0x17f: {  	_ =	swait.ge [sflag:s19], $0x800  }
0x180: {  	[sflag:s19] =	ssyncset.done $0x0  }
0x181: {  	[sflag:s19] =	ssyncadd.s32 $0xFFFFF800  }
0x182: {  	_ =	swait.ge [sflag:s20], $0x80  }
0x183: {  	[sflag:s20] =	ssyncset.done $0x0  }
0x184: {  	[sflag:s20] =	ssyncadd.s32 $0xFFFFFF80  }
0x185: {  	_ =	swait.ge [sflag:s19], $0x800  }
0x186: {  	[sflag:s19] =	ssyncset.done $0x0  }
0x187: {  	[sflag:s19] =	ssyncadd.s32 $0xFFFFF800  }
0x188: {  	_ =	swait.ge [sflag:s20], $0x80  }
0x189: {  	[sflag:s20] =	ssyncset.done $0x0  }
0x18a: {  	[sflag:s20] =	ssyncadd.s32 $0xFFFFFF80  }
0x18b: {  	_ =	swait.ge [sflag:s19], $0x800  }
0x18c: {  	[sflag:s19] =	ssyncset.done $0x0  }
0x18d: {  	[sflag:s19] =	ssyncadd.s32 $0xFFFFF800  }
0x18e: {  	_ =	swait.ge [sflag:s20], $0x80  }
0x18f: {  	[sflag:s20] =	ssyncset.done $0x0  }
0x190: {  	[sflag:s20] =	ssyncadd.s32 $0xFFFFFF80  }
0x191: {  	_ =	swait.ge [sflag:s19], $0x800  }
0x192: {  	[sflag:s19] =	ssyncset.done $0x0  }
0x193: {  	[sflag:s19] =	ssyncadd.s32 $0xFFFFF800  }
0x194: {  	_ =	swait.ge [sflag:s20], $0x80  }
0x195: {  	[sflag:s20] =	ssyncset.done $0x0  }
0x196: {  	[sflag:s20] =	ssyncadd.s32 $0xFFFFFF80  }
0x197: {  	_ =	swait.ge [sflag:s19], $0x800  }
0x198: {  	[sflag:s19] =	ssyncset.done $0x0  }
0x199: {  	[sflag:s19] =	ssyncadd.s32 $0xFFFFF800  }
0x19a: {  	_ =	swait.ge [sflag:s20], $0x80  }
0x19b: {  	[sflag:s20] =	ssyncset.done $0x0  }
0x19c: {  	[sflag:s20] =	ssyncadd.s32 $0xFFFFFF80  }
0x19d: {  	_ =	swait.ge [sflag:s19], $0x800  }
0x19e: {  	[sflag:s19] =	ssyncset.done $0x0  }
0x19f: {  	[sflag:s19] =	ssyncadd.s32 $0xFFFFF800  }
0x1a0: {  	_ =	swait.ge [sflag:s20], $0x80  }
0x1a1: {  	[sflag:s20] =	ssyncset.done $0x0  }
0x1a2: {  	[sflag:s20] =	ssyncadd.s32 $0xFFFFFF80  }
0x1a3: {  	_ =	swait.ge [sflag:s19], $0x800  }
0x1a4: {  	[sflag:s19] =	ssyncset.done $0x0  }
0x1a5: {  	[sflag:s19] =	ssyncadd.s32 $0xFFFFF800  }
0x1a6: {  	_ =	swait.ge [sflag:s20], $0x80  }
0x1a7: {  	[sflag:s20] =	ssyncset.done $0x0  }
0x1a8: {  	[sflag:s20] =	ssyncadd.s32 $0xFFFFFF80  }
0x1a9: {  	_ =	swait.ge [sflag:s19], $0x800  }
0x1aa: {  	[sflag:s19] =	ssyncset.done $0x0  }
0x1ab: {  	[sflag:s19] =	ssyncadd.s32 $0xFFFFF800  }
0x1ac: {  	_ =	swait.ge [sflag:s20], $0x80  }
0x1ad: {  	[sflag:s20] =	ssyncset.done $0x0  }
0x1ae: {  	[sflag:s20] =	ssyncadd.s32 $0xFFFFFF80  }
0x1af: {  	_ =	swait.ge [sflag:s19], $0x800  }
0x1b0: {  	[sflag:s19] =	ssyncset.done $0x0  }
0x1b1: {  	[sflag:s19] =	ssyncadd.s32 $0xFFFFF800  }
0x1b2: {  	_ =	swait.ge [sflag:s20], $0x80  }
0x1b3: {  	[sflag:s20] =	ssyncset.done $0x0  }
0x1b4: {  	[sflag:s20] =	ssyncadd.s32 $0xFFFFFF80  }
0x1b5: {  	[hbm4b:s23+s2] =	stream.linear.scatter [tilespmem:s11], [sflag:$0x3], $0x6800, $0x38;
	[tilespmem:$0xA280] =	vst v63  }
0x1b6: {  	s21 =	sadd.s32 $0x1, s21;
	_ =	swait.ge [sflag:s9], $0x6800  }
0x1b7: {  	p0 =	sne.s32 s21, s6;
	[sflag:s9] =	ssyncset.done $0x0  }
.Ltmp1:
0x1b8: {  	[sflag:s9] =	ssyncadd.s32 $0xFFFF9800;
	(pc) =	sbr.rel @p0 .LBB2_1-.Ltmp1, $4  }
0x1b9: {  	[hbm4b:s22+s2] =	stream.linear.scatter [tilespmem:s12], [sflag:$0x3], $0x680, $0x38;
	[tilespmem:$0xA280] =	vst v63  }
0x1ba: {  	_ =	swait.ge [sflag:s9], $0x680  }
0x1bb: {  	[sflag:s9] =	ssyncset.done $0x0  }
0x1bc: {  	[sflag:s9] =	ssyncadd.s32 $0xFFFFF980  }
0x1bd: {  	_ =	sfence.sel $0x180000  }
0x1be: {  	[bflag:$0x0] =	sbarrier.arrive $0xFFFF  }
0x1bf: {  	p0 =	sne.s32 s0, $0x0;
	_ =	strace $0x90000047  }
0x1c0: {  	s0 =	sadd.s32 @!p0 $0x100000, s1;
	[bflag:$0x2] =	sbarrier.arrive $0xFFFF  }
0x1c1: {  	[sflag:s0] =	ssyncadd.tile.s32 @!p0 $0x1;
	_ =	shalt  }
.Lfunc_end2:
_tile_overlayer_lowered:
.L_overlay_start_2:
0x1c2: {  	(tag) =	ssettag $0x2  }
0x1c3: {  	s0 =	rddreg [dreg:$0x0];
	s2 =	stileid.u32  }
0x1c4: {  	s1 =	rddreg [dreg:$0x1];
	p0 =	sne.s32 s2, $0x0  }
0x1c5: {  	s3 =	rddreg [dreg:$0x2];
	[bflag:$0x3] =	sbarrier.arrive $0xFFFF;
	s2 =	simm.s32 @!p0 $0x1C03  }
0x1c6: {  	[timem:s3], [sflag:s2] =	dma.local @!p0 [hbm:s0], s1  }
0x1c7: {  	s0 =	simm.s32 @!p0 $0x3  }
0x1c8: {  	_ =	swait.ge @!p0 [sflag:s0], s1  }
0x1c9: {  	s1 =	ssub.s32 @!p0 $0x0, s1;
	[sflag:s0] =	ssyncset.done @!p0 $0x0  }
0x1ca: {  	[sflag:s0] =	ssyncadd.s32 @!p0 s1  }
0x1cb: {  	[bflag:$0x3] =	sbarrier.arrive $0xFFFF  }
0x1cc: {  	_ =	shalt  }

</sc_bundles>
